<compile_context>
chip_gen: v7x
topology: tpu7x:2x2x1
jax: 0.10.2.dev20260603
libtpu: 0.0.44.dev20260713+nightly
codegen_flags: <defaults>
</compile_context>

<pallas_src>
import functools

import jax
import jax.numpy as jnp
from jax import lax
from jax.experimental import pallas as pl
from jax.experimental.pallas import tpu as pltpu
from jax.experimental.pallas import tpu_sc as plsc

B = 64
S_IN = 64
S_OUT = 256
D = 768
LANES = 16
NC, NS = 2, 16
NW = NC * NS
B_PER_W = B // NW
BLK = 32

_mesh = plsc.VectorSubcoreMesh(core_axis_name="c", subcore_axis_name="s")


@functools.partial(
    pl.kernel,
    out_type=jax.ShapeDtypeStruct((B * S_OUT, D), jnp.float32),
    mesh=_mesh,
    scratch_types=[
        pltpu.VMEM((BLK, D), jnp.float32),
        pltpu.VMEM((S_IN, D), jnp.float32),
        pltpu.VMEM((S_IN, D), jnp.float32),
        pltpu.SemaphoreType.DMA,
        pltpu.SemaphoreType.DMA,
    ],
)
def _mask_token_sc(in_hbm, mst_hbm, out_hbm, blk, stage0, stage1, gsem, wsem):
    wid = lax.axis_index("s") * NC + lax.axis_index("c")
    b0 = wid * B_PER_W
    stages = (stage0, stage1)

    gathers = [
        pltpu.async_copy(in_hbm.at[pl.ds((b0 + k) * S_IN, S_IN)], stages[k], gsem)
        for k in range(B_PER_W)
    ]

    pltpu.sync_copy(mst_hbm, blk.at[0])

    def rep(r, carry):
        for j in range(D // LANES):
            blk[r, pl.ds(j * LANES, LANES)] = blk[0, pl.ds(j * LANES, LANES)]
        return carry

    lax.fori_loop(1, BLK, rep, 0)

    writes = []
    for k in range(B_PER_W):
        out_base = (b0 + k) * S_OUT
        for c in range(128 // BLK):
            writes.append(
                pltpu.async_copy(blk, out_hbm.at[pl.ds(out_base + c * BLK, BLK)], wsem)
            )
        for c in range(64 // BLK):
            writes.append(
                pltpu.async_copy(blk, out_hbm.at[pl.ds(out_base + 192 + c * BLK, BLK)], wsem)
            )

    for k in range(B_PER_W):
        gathers[k].wait()
        writes.append(
            pltpu.async_copy(
                stages[k], out_hbm.at[pl.ds((b0 + k) * S_OUT + 128, S_IN)], wsem
            )
        )
    for w in writes:
        w.wait()


def kernel(inputs, mst):
    out = _mask_token_sc(
        inputs.reshape(B * S_IN, D),
        mst.astype(inputs.dtype).reshape(D),
    )
    return out.reshape(B, S_OUT, D)

# --- scband reference (transcript-rebuilt; emitter-appended) ---
"""Pipeline reference for scband-mask-token-16647293239898 (READ-ONLY COPY).

The authoritative reference and input builder live on the scoring server;
editing this copy changes nothing except your own understanding.
"""

import jax, jax.numpy as jnp
import numpy as np

MASK_INDICES = np.arange(64, 256, dtype=np.int64)
UNMASKED_INDICES = np.arange(0, 64, dtype=np.int64)


def setup_inputs(seed: int = 0) -> dict:
    key = jax.random.key(seed)
    inputs = jax.random.normal(key, (64, 64, 768), dtype=jnp.float32)
    # learned mask token (built lazily in keras build(); zeros_initializer)
    mst = jnp.zeros((1, 1, 768), dtype=jnp.float32)
    return {"inputs": inputs, "mst": mst}


def reference(inputs, mst):
    batch_size = inputs.shape[0]
    mask_num = MASK_INDICES.shape[0]
    hidden_size = inputs.shape[-1]
    # broadcast mask token to all masked positions
    mst_broadcasted = jnp.broadcast_to(mst, (batch_size, mask_num, hidden_size)).astype(inputs.dtype)
    # indices = concat([mask_indices, un_masked_indices])
    indices = jnp.asarray(np.concatenate([MASK_INDICES, UNMASKED_INDICES], axis=0))
    # updates = concat([mask tokens, encoder outputs]) along sequence axis
    updates = jnp.concatenate([mst_broadcasted, inputs], axis=1)
    # gather along axis=1 to unshuffle tokens back into image order
    out = jnp.take(updates, indices, axis=1)
    return out

if __name__ == "__main__":
    import jax
    _d = setup_inputs()
    print(jax.jit(kernel)(*tuple(_d.values())))

</pallas_src>

<mosaic_0001>
#map = affine_map<(d0, d1) -> (0, 0)>
#map1 = affine_map<(d0, d1) -> (0)>
module attributes {stable_mosaic.version = 14 : i64} {
  func.func @_mask_token_sc(%arg0: i32, %arg1: i32, %arg2: memref<4096x768xf32, #tpu.memory_space<hbm>>, %arg3: memref<768xf32, #tpu.memory_space<hbm>>, %arg4: memref<16384x768xf32, #tpu.memory_space<hbm>>, %arg5: memref<32x768xf32, #tpu.memory_space<vmem>>, %arg6: memref<64x768xf32, #tpu.memory_space<vmem>>, %arg7: memref<64x768xf32, #tpu.memory_space<vmem>>, %arg8: memref<!tpu.dma_semaphore, #tpu.memory_space<semaphore_mem>>, %arg9: memref<!tpu.dma_semaphore, #tpu.memory_space<semaphore_mem>>) attributes {dimension_semantics = [#tpu.dimension_semantics<core_parallel>, #tpu.dimension_semantics<subcore_parallel>], iteration_bounds = array<i64: 2, 16>, scalar_prefetch = 0 : i64, scratch_operands = 5 : i64, tpu.core_type = #tpu.core_type<sc_vector_subcore>, window_params = [{transform_indices = #map}, {transform_indices = #map1}, {transform_indices = #map}]} {
    %mul3A = arith.constant 2 : i32
    %mul3A_0 = arith.muli %arg1, %mul3A : i32
    %add3A = arith.addi %mul3A_0, %arg0 : i32
    %mul3A_1 = arith.constant 2 : i32
    %mul3A_2 = arith.muli %add3A, %mul3A_1 : i32
    %add3A_3 = arith.constant 0 : i32
    %add3A_4 = arith.addi %mul3A_2, %add3A_3 : i32
    %mul3A_5 = arith.constant 64 : i32
    %mul3A_6 = arith.muli %add3A_4, %mul3A_5 : i32
    %dma_start3A = arith.constant 0 : i32
    %dma_start3A_7 = tpu.memref_slice %arg2[%mul3A_6, %dma_start3A] : memref<4096x768xf32, #tpu.memory_space<hbm>> -> memref<64x768xf32, #tpu.memory_space<hbm>>
    %dma_start3A_8 = arith.constant 0 : i32
    %dma_start3A_9 = tpu.memref_slice %arg2[%mul3A_6, %dma_start3A_8] : memref<4096x768xf32, #tpu.memory_space<hbm>> -> memref<64x768xf32, #tpu.memory_space<hbm>>
    tpu.enqueue_dma source(%dma_start3A_9 : memref<64x768xf32, #tpu.memory_space<hbm>>) target(%arg6 : memref<64x768xf32, #tpu.memory_space<vmem>>) target_semaphore(%arg8 : memref<!tpu.dma_semaphore, #tpu.memory_space<semaphore_mem>>)
    %add3A_10 = arith.constant 1 : i32
    %add3A_11 = arith.addi %mul3A_2, %add3A_10 : i32
    %mul3A_12 = arith.constant 64 : i32
    %mul3A_13 = arith.muli %add3A_11, %mul3A_12 : i32
    %dma_start3A_14 = arith.constant 0 : i32
    %dma_start3A_15 = tpu.memref_slice %arg2[%mul3A_13, %dma_start3A_14] : memref<4096x768xf32, #tpu.memory_space<hbm>> -> memref<64x768xf32, #tpu.memory_space<hbm>>
    %dma_start3A_16 = arith.constant 0 : i32
    %dma_start3A_17 = tpu.memref_slice %arg2[%mul3A_13, %dma_start3A_16] : memref<4096x768xf32, #tpu.memory_space<hbm>> -> memref<64x768xf32, #tpu.memory_space<hbm>>
    tpu.enqueue_dma source(%dma_start3A_17 : memref<64x768xf32, #tpu.memory_space<hbm>>) target(%arg7 : memref<64x768xf32, #tpu.memory_space<vmem>>) target_semaphore(%arg8 : memref<!tpu.dma_semaphore, #tpu.memory_space<semaphore_mem>>)
    %run_scoped3A = arith.constant 0 : i32
    "tpu.region"() ({
      %run_scoped3A_194 = tpu.sem_alloc : memref<!tpu.dma_semaphore, #tpu.memory_space<semaphore_mem>>
      %dma_start3A_195 = arith.constant 0 : i32
      %dma_start3A_196 = tpu.memref_slice %arg5[%run_scoped3A, %dma_start3A_195] : memref<32x768xf32, #tpu.memory_space<vmem>> -> memref<1x768xf32, #tpu.memory_space<vmem>>
      %dma_start3A_197 = tpu.memref_squeeze %dma_start3A_196 : memref<1x768xf32, #tpu.memory_space<vmem>> -> memref<768xf32, #tpu.memory_space<vmem>>
      %dma_start3A_198 = arith.constant 0 : i32
      %dma_start3A_199 = tpu.memref_slice %arg5[%run_scoped3A, %dma_start3A_198] : memref<32x768xf32, #tpu.memory_space<vmem>> -> memref<1x768xf32, #tpu.memory_space<vmem>>
      %dma_start3A_200 = tpu.memref_squeeze %dma_start3A_199 : memref<1x768xf32, #tpu.memory_space<vmem>> -> memref<768xf32, #tpu.memory_space<vmem>>
      tpu.enqueue_dma source(%arg3 : memref<768xf32, #tpu.memory_space<hbm>>) target(%dma_start3A_200 : memref<768xf32, #tpu.memory_space<vmem>>) target_semaphore(%run_scoped3A_194 : memref<!tpu.dma_semaphore, #tpu.memory_space<semaphore_mem>>)
      %dma_wait3A_201 = arith.constant 0 : i32
      %dma_wait3A_202 = tpu.memref_slice %arg5[%run_scoped3A, %dma_wait3A_201] : memref<32x768xf32, #tpu.memory_space<vmem>> -> memref<1x768xf32, #tpu.memory_space<vmem>>
      %dma_wait3A_203 = tpu.memref_squeeze %dma_wait3A_202 : memref<1x768xf32, #tpu.memory_space<vmem>> -> memref<768xf32, #tpu.memory_space<vmem>>
      %dma_wait3A_204 = arith.constant 0 : i32
      %dma_wait3A_205 = tpu.memref_slice %arg5[%run_scoped3A, %dma_wait3A_204] : memref<32x768xf32, #tpu.memory_space<vmem>> -> memref<1x768xf32, #tpu.memory_space<vmem>>
      %dma_wait3A_206 = tpu.memref_squeeze %dma_wait3A_205 : memref<1x768xf32, #tpu.memory_space<vmem>> -> memref<768xf32, #tpu.memory_space<vmem>>
      tpu.wait_dma2 semaphore(%run_scoped3A_194 : memref<!tpu.dma_semaphore, #tpu.memory_space<semaphore_mem>>) src(%arg3 : memref<768xf32, #tpu.memory_space<hbm>>) dst(%dma_wait3A_206 : memref<768xf32, #tpu.memory_space<vmem>>)
      tpu.yield
    }) : () -> ()
    %scan3A = arith.constant 0 : i32
    %scan3A_18 = arith.constant 1 : i32
    %scan3A_19 = arith.constant 31 : i32
    %scan3A_20 = arith.addi %scan3A_18, %scan3A_19 : i32
    %scan3A_21 = arith.constant 1 : i32
    scf.for %scan3A_194 = %scan3A_18 to %scan3A_20 step %scan3A_21  : i32 {
      %get3A = arith.constant 0 : i32
      %get3A_195 = arith.index_cast %get3A : i32 to index
      %get3A_196 = arith.constant 0 : index
      %get3A_197 = tpu.vector_load %arg5[%get3A_195, %get3A_196] {strides = array<i32>} : memref<32x768xf32, #tpu.memory_space<vmem>>, vector<1x16xf32>,
      %get3A_198 = vector.shape_cast %get3A_197 : vector<1x16xf32> to vector<16xf32>
      %swap3A = arith.index_cast %scan3A_194 : i32 to index
      %swap3A_199 = arith.constant 0 : index
      %swap3A_200 = tpu.vector_load %arg5[%swap3A, %swap3A_199] {strides = array<i32>} : memref<32x768xf32, #tpu.memory_space<vmem>>, vector<1x16xf32>,
      %swap3A_201 = vector.shape_cast %swap3A_200 : vector<1x16xf32> to vector<16xf32>
      %swap3A_202 = vector.shape_cast %get3A_198 : vector<16xf32> to vector<1x16xf32>
      tpu.vector_store %arg5[%swap3A, %swap3A_199], %swap3A_202 {strides = array<i32>} : memref<32x768xf32, #tpu.memory_space<vmem>>, vector<1x16xf32>,
      %get3A_203 = arith.constant 0 : i32
      %get3A_204 = arith.index_cast %get3A_203 : i32 to index
      %get3A_205 = arith.constant 16 : index
      %get3A_206 = tpu.vector_load %arg5[%get3A_204, %get3A_205] {strides = array<i32>} : memref<32x768xf32, #tpu.memory_space<vmem>>, vector<1x16xf32>,
      %get3A_207 = vector.shape_cast %get3A_206 : vector<1x16xf32> to vector<16xf32>
      %swap3A_208 = arith.index_cast %scan3A_194 : i32 to index
      %swap3A_209 = arith.constant 16 : index
      %swap3A_210 = tpu.vector_load %arg5[%swap3A_208, %swap3A_209] {strides = array<i32>} : memref<32x768xf32, #tpu.memory_space<vmem>>, vector<1x16xf32>,
      %swap3A_211 = vector.shape_cast %swap3A_210 : vector<1x16xf32> to vector<16xf32>
      %swap3A_212 = vector.shape_cast %get3A_207 : vector<16xf32> to vector<1x16xf32>
      tpu.vector_store %arg5[%swap3A_208, %swap3A_209], %swap3A_212 {strides = array<i32>} : memref<32x768xf32, #tpu.memory_space<vmem>>, vector<1x16xf32>,
      %get3A_213 = arith.constant 0 : i32
      %get3A_214 = arith.index_cast %get3A_213 : i32 to index
      %get3A_215 = arith.constant 32 : index
      %get3A_216 = tpu.vector_load %arg5[%get3A_214, %get3A_215] {strides = array<i32>} : memref<32x768xf32, #tpu.memory_space<vmem>>, vector<1x16xf32>,
      %get3A_217 = vector.shape_cast %get3A_216 : vector<1x16xf32> to vector<16xf32>
      %swap3A_218 = arith.index_cast %scan3A_194 : i32 to index
      %swap3A_219 = arith.constant 32 : index
      %swap3A_220 = tpu.vector_load %arg5[%swap3A_218, %swap3A_219] {strides = array<i32>} : memref<32x768xf32, #tpu.memory_space<vmem>>, vector<1x16xf32>,
      %swap3A_221 = vector.shape_cast %swap3A_220 : vector<1x16xf32> to vector<16xf32>
      %swap3A_222 = vector.shape_cast %get3A_217 : vector<16xf32> to vector<1x16xf32>
      tpu.vector_store %arg5[%swap3A_218, %swap3A_219], %swap3A_222 {strides = array<i32>} : memref<32x768xf32, #tpu.memory_space<vmem>>, vector<1x16xf32>,
      %get3A_223 = arith.constant 0 : i32
      %get3A_224 = arith.index_cast %get3A_223 : i32 to index
      %get3A_225 = arith.constant 48 : index
      %get3A_226 = tpu.vector_load %arg5[%get3A_224, %get3A_225] {strides = array<i32>} : memref<32x768xf32, #tpu.memory_space<vmem>>, vector<1x16xf32>,
      %get3A_227 = vector.shape_cast %get3A_226 : vector<1x16xf32> to vector<16xf32>
      %swap3A_228 = arith.index_cast %scan3A_194 : i32 to index
      %swap3A_229 = arith.constant 48 : index
      %swap3A_230 = tpu.vector_load %arg5[%swap3A_228, %swap3A_229] {strides = array<i32>} : memref<32x768xf32, #tpu.memory_space<vmem>>, vector<1x16xf32>,
      %swap3A_231 = vector.shape_cast %swap3A_230 : vector<1x16xf32> to vector<16xf32>
      %swap3A_232 = vector.shape_cast %get3A_227 : vector<16xf32> to vector<1x16xf32>
      tpu.vector_store %arg5[%swap3A_228, %swap3A_229], %swap3A_232 {strides = array<i32>} : memref<32x768xf32, #tpu.memory_space<vmem>>, vector<1x16xf32>,
      %get3A_233 = arith.constant 0 : i32
      %get3A_234 = arith.index_cast %get3A_233 : i32 to index
      %get3A_235 = arith.constant 64 : index
      %get3A_236 = tpu.vector_load %arg5[%get3A_234, %get3A_235] {strides = array<i32>} : memref<32x768xf32, #tpu.memory_space<vmem>>, vector<1x16xf32>,
      %get3A_237 = vector.shape_cast %get3A_236 : vector<1x16xf32> to vector<16xf32>
      %swap3A_238 = arith.index_cast %scan3A_194 : i32 to index
      %swap3A_239 = arith.constant 64 : index
      %swap3A_240 = tpu.vector_load %arg5[%swap3A_238, %swap3A_239] {strides = array<i32>} : memref<32x768xf32, #tpu.memory_space<vmem>>, vector<1x16xf32>,
      %swap3A_241 = vector.shape_cast %swap3A_240 : vector<1x16xf32> to vector<16xf32>
      %swap3A_242 = vector.shape_cast %get3A_237 : vector<16xf32> to vector<1x16xf32>
      tpu.vector_store %arg5[%swap3A_238, %swap3A_239], %swap3A_242 {strides = array<i32>} : memref<32x768xf32, #tpu.memory_space<vmem>>, vector<1x16xf32>,
      %get3A_243 = arith.constant 0 : i32
      %get3A_244 = arith.index_cast %get3A_243 : i32 to index
      %get3A_245 = arith.constant 80 : index
      %get3A_246 = tpu.vector_load %arg5[%get3A_244, %get3A_245] {strides = array<i32>} : memref<32x768xf32, #tpu.memory_space<vmem>>, vector<1x16xf32>,
      %get3A_247 = vector.shape_cast %get3A_246 : vector<1x16xf32> to vector<16xf32>
      %swap3A_248 = arith.index_cast %scan3A_194 : i32 to index
      %swap3A_249 = arith.constant 80 : index
      %swap3A_250 = tpu.vector_load %arg5[%swap3A_248, %swap3A_249] {strides = array<i32>} : memref<32x768xf32, #tpu.memory_space<vmem>>, vector<1x16xf32>,
      %swap3A_251 = vector.shape_cast %swap3A_250 : vector<1x16xf32> to vector<16xf32>
      %swap3A_252 = vector.shape_cast %get3A_247 : vector<16xf32> to vector<1x16xf32>
      tpu.vector_store %arg5[%swap3A_248, %swap3A_249], %swap3A_252 {strides = array<i32>} : memref<32x768xf32, #tpu.memory_space<vmem>>, vector<1x16xf32>,
      %get3A_253 = arith.constant 0 : i32
      %get3A_254 = arith.index_cast %get3A_253 : i32 to index
      %get3A_255 = arith.constant 96 : index
      %get3A_256 = tpu.vector_load %arg5[%get3A_254, %get3A_255] {strides = array<i32>} : memref<32x768xf32, #tpu.memory_space<vmem>>, vector<1x16xf32>,
      %get3A_257 = vector.shape_cast %get3A_256 : vector<1x16xf32> to vector<16xf32>
      %swap3A_258 = arith.index_cast %scan3A_194 : i32 to index
      %swap3A_259 = arith.constant 96 : index
      %swap3A_260 = tpu.vector_load %arg5[%swap3A_258, %swap3A_259] {strides = array<i32>} : memref<32x768xf32, #tpu.memory_space<vmem>>, vector<1x16xf32>,
      %swap3A_261 = vector.shape_cast %swap3A_260 : vector<1x16xf32> to vector<16xf32>
      %swap3A_262 = vector.shape_cast %get3A_257 : vector<16xf32> to vector<1x16xf32>
      tpu.vector_store %arg5[%swap3A_258, %swap3A_259], %swap3A_262 {strides = array<i32>} : memref<32x768xf32, #tpu.memory_space<vmem>>, vector<1x16xf32>,
      %get3A_263 = arith.constant 0 : i32
      %get3A_264 = arith.index_cast %get3A_263 : i32 to index
      %get3A_265 = arith.constant 112 : index
      %get3A_266 = tpu.vector_load %arg5[%get3A_264, %get3A_265] {strides = array<i32>} : memref<32x768xf32, #tpu.memory_space<vmem>>, vector<1x16xf32>,
      %get3A_267 = vector.shape_cast %get3A_266 : vector<1x16xf32> to vector<16xf32>
      %swap3A_268 = arith.index_cast %scan3A_194 : i32 to index
      %swap3A_269 = arith.constant 112 : index
      %swap3A_270 = tpu.vector_load %arg5[%swap3A_268, %swap3A_269] {strides = array<i32>} : memref<32x768xf32, #tpu.memory_space<vmem>>, vector<1x16xf32>,
      %swap3A_271 = vector.shape_cast %swap3A_270 : vector<1x16xf32> to vector<16xf32>
      %swap3A_272 = vector.shape_cast %get3A_267 : vector<16xf32> to vector<1x16xf32>
      tpu.vector_store %arg5[%swap3A_268, %swap3A_269], %swap3A_272 {strides = array<i32>} : memref<32x768xf32, #tpu.memory_space<vmem>>, vector<1x16xf32>,
      %get3A_273 = arith.constant 0 : i32
      %get3A_274 = arith.index_cast %get3A_273 : i32 to index
      %get3A_275 = arith.constant 128 : index
      %get3A_276 = tpu.vector_load %arg5[%get3A_274, %get3A_275] {strides = array<i32>} : memref<32x768xf32, #tpu.memory_space<vmem>>, vector<1x16xf32>,
      %get3A_277 = vector.shape_cast %get3A_276 : vector<1x16xf32> to vector<16xf32>
      %swap3A_278 = arith.index_cast %scan3A_194 : i32 to index
      %swap3A_279 = arith.constant 128 : index
      %swap3A_280 = tpu.vector_load %arg5[%swap3A_278, %swap3A_279] {strides = array<i32>} : memref<32x768xf32, #tpu.memory_space<vmem>>, vector<1x16xf32>,
      %swap3A_281 = vector.shape_cast %swap3A_280 : vector<1x16xf32> to vector<16xf32>
      %swap3A_282 = vector.shape_cast %get3A_277 : vector<16xf32> to vector<1x16xf32>
      tpu.vector_store %arg5[%swap3A_278, %swap3A_279], %swap3A_282 {strides = array<i32>} : memref<32x768xf32, #tpu.memory_space<vmem>>, vector<1x16xf32>,
      %get3A_283 = arith.constant 0 : i32
      %get3A_284 = arith.index_cast %get3A_283 : i32 to index
      %get3A_285 = arith.constant 144 : index
      %get3A_286 = tpu.vector_load %arg5[%get3A_284, %get3A_285] {strides = array<i32>} : memref<32x768xf32, #tpu.memory_space<vmem>>, vector<1x16xf32>,
      %get3A_287 = vector.shape_cast %get3A_286 : vector<1x16xf32> to vector<16xf32>
      %swap3A_288 = arith.index_cast %scan3A_194 : i32 to index
      %swap3A_289 = arith.constant 144 : index
      %swap3A_290 = tpu.vector_load %arg5[%swap3A_288, %swap3A_289] {strides = array<i32>} : memref<32x768xf32, #tpu.memory_space<vmem>>, vector<1x16xf32>,
      %swap3A_291 = vector.shape_cast %swap3A_290 : vector<1x16xf32> to vector<16xf32>
      %swap3A_292 = vector.shape_cast %get3A_287 : vector<16xf32> to vector<1x16xf32>
      tpu.vector_store %arg5[%swap3A_288, %swap3A_289], %swap3A_292 {strides = array<i32>} : memref<32x768xf32, #tpu.memory_space<vmem>>, vector<1x16xf32>,
      %get3A_293 = arith.constant 0 : i32
      %get3A_294 = arith.index_cast %get3A_293 : i32 to index
      %get3A_295 = arith.constant 160 : index
      %get3A_296 = tpu.vector_load %arg5[%get3A_294, %get3A_295] {strides = array<i32>} : memref<32x768xf32, #tpu.memory_space<vmem>>, vector<1x16xf32>,
      %get3A_297 = vector.shape_cast %get3A_296 : vector<1x16xf32> to vector<16xf32>
      %swap3A_298 = arith.index_cast %scan3A_194 : i32 to index
      %swap3A_299 = arith.constant 160 : index
      %swap3A_300 = tpu.vector_load %arg5[%swap3A_298, %swap3A_299] {strides = array<i32>} : memref<32x768xf32, #tpu.memory_space<vmem>>, vector<1x16xf32>,
      %swap3A_301 = vector.shape_cast %swap3A_300 : vector<1x16xf32> to vector<16xf32>
      %swap3A_302 = vector.shape_cast %get3A_297 : vector<16xf32> to vector<1x16xf32>
      tpu.vector_store %arg5[%swap3A_298, %swap3A_299], %swap3A_302 {strides = array<i32>} : memref<32x768xf32, #tpu.memory_space<vmem>>, vector<1x16xf32>,
      %get3A_303 = arith.constant 0 : i32
      %get3A_304 = arith.index_cast %get3A_303 : i32 to index
      %get3A_305 = arith.constant 176 : index
      %get3A_306 = tpu.vector_load %arg5[%get3A_304, %get3A_305] {strides = array<i32>} : memref<32x768xf32, #tpu.memory_space<vmem>>, vector<1x16xf32>,
      %get3A_307 = vector.shape_cast %get3A_306 : vector<1x16xf32> to vector<16xf32>
      %swap3A_308 = arith.index_cast %scan3A_194 : i32 to index
      %swap3A_309 = arith.constant 176 : index
      %swap3A_310 = tpu.vector_load %arg5[%swap3A_308, %swap3A_309] {strides = array<i32>} : memref<32x768xf32, #tpu.memory_space<vmem>>, vector<1x16xf32>,
      %swap3A_311 = vector.shape_cast %swap3A_310 : vector<1x16xf32> to vector<16xf32>
      %swap3A_312 = vector.shape_cast %get3A_307 : vector<16xf32> to vector<1x16xf32>
      tpu.vector_store %arg5[%swap3A_308, %swap3A_309], %swap3A_312 {strides = array<i32>} : memref<32x768xf32, #tpu.memory_space<vmem>>, vector<1x16xf32>,
      %get3A_313 = arith.constant 0 : i32
      %get3A_314 = arith.index_cast %get3A_313 : i32 to index
      %get3A_315 = arith.constant 192 : index
      %get3A_316 = tpu.vector_load %arg5[%get3A_314, %get3A_315] {strides = array<i32>} : memref<32x768xf32, #tpu.memory_space<vmem>>, vector<1x16xf32>,
      %get3A_317 = vector.shape_cast %get3A_316 : vector<1x16xf32> to vector<16xf32>
      %swap3A_318 = arith.index_cast %scan3A_194 : i32 to index
      %swap3A_319 = arith.constant 192 : index
      %swap3A_320 = tpu.vector_load %arg5[%swap3A_318, %swap3A_319] {strides = array<i32>} : memref<32x768xf32, #tpu.memory_space<vmem>>, vector<1x16xf32>,
      %swap3A_321 = vector.shape_cast %swap3A_320 : vector<1x16xf32> to vector<16xf32>
      %swap3A_322 = vector.shape_cast %get3A_317 : vector<16xf32> to vector<1x16xf32>
      tpu.vector_store %arg5[%swap3A_318, %swap3A_319], %swap3A_322 {strides = array<i32>} : memref<32x768xf32, #tpu.memory_space<vmem>>, vector<1x16xf32>,
      %get3A_323 = arith.constant 0 : i32
      %get3A_324 = arith.index_cast %get3A_323 : i32 to index
      %get3A_325 = arith.constant 208 : index
      %get3A_326 = tpu.vector_load %arg5[%get3A_324, %get3A_325] {strides = array<i32>} : memref<32x768xf32, #tpu.memory_space<vmem>>, vector<1x16xf32>,
      %get3A_327 = vector.shape_cast %get3A_326 : vector<1x16xf32> to vector<16xf32>
      %swap3A_328 = arith.index_cast %scan3A_194 : i32 to index
      %swap3A_329 = arith.constant 208 : index
      %swap3A_330 = tpu.vector_load %arg5[%swap3A_328, %swap3A_329] {strides = array<i32>} : memref<32x768xf32, #tpu.memory_space<vmem>>, vector<1x16xf32>,
      %swap3A_331 = vector.shape_cast %swap3A_330 : vector<1x16xf32> to vector<16xf32>
      %swap3A_332 = vector.shape_cast %get3A_327 : vector<16xf32> to vector<1x16xf32>
      tpu.vector_store %arg5[%swap3A_328, %swap3A_329], %swap3A_332 {strides = array<i32>} : memref<32x768xf32, #tpu.memory_space<vmem>>, vector<1x16xf32>,
      %get3A_333 = arith.constant 0 : i32
      %get3A_334 = arith.index_cast %get3A_333 : i32 to index
      %get3A_335 = arith.constant 224 : index
      %get3A_336 = tpu.vector_load %arg5[%get3A_334, %get3A_335] {strides = array<i32>} : memref<32x768xf32, #tpu.memory_space<vmem>>, vector<1x16xf32>,
      %get3A_337 = vector.shape_cast %get3A_336 : vector<1x16xf32> to vector<16xf32>
      %swap3A_338 = arith.index_cast %scan3A_194 : i32 to index
      %swap3A_339 = arith.constant 224 : index
      %swap3A_340 = tpu.vector_load %arg5[%swap3A_338, %swap3A_339] {strides = array<i32>} : memref<32x768xf32, #tpu.memory_space<vmem>>, vector<1x16xf32>,
      %swap3A_341 = vector.shape_cast %swap3A_340 : vector<1x16xf32> to vector<16xf32>
      %swap3A_342 = vector.shape_cast %get3A_337 : vector<16xf32> to vector<1x16xf32>
      tpu.vector_store %arg5[%swap3A_338, %swap3A_339], %swap3A_342 {strides = array<i32>} : memref<32x768xf32, #tpu.memory_space<vmem>>, vector<1x16xf32>,
      %get3A_343 = arith.constant 0 : i32
      %get3A_344 = arith.index_cast %get3A_343 : i32 to index
      %get3A_345 = arith.constant 240 : index
      %get3A_346 = tpu.vector_load %arg5[%get3A_344, %get3A_345] {strides = array<i32>} : memref<32x768xf32, #tpu.memory_space<vmem>>, vector<1x16xf32>,
      %get3A_347 = vector.shape_cast %get3A_346 : vector<1x16xf32> to vector<16xf32>
      %swap3A_348 = arith.index_cast %scan3A_194 : i32 to index
      %swap3A_349 = arith.constant 240 : index
      %swap3A_350 = tpu.vector_load %arg5[%swap3A_348, %swap3A_349] {strides = array<i32>} : memref<32x768xf32, #tpu.memory_space<vmem>>, vector<1x16xf32>,
      %swap3A_351 = vector.shape_cast %swap3A_350 : vector<1x16xf32> to vector<16xf32>
      %swap3A_352 = vector.shape_cast %get3A_347 : vector<16xf32> to vector<1x16xf32>
      tpu.vector_store %arg5[%swap3A_348, %swap3A_349], %swap3A_352 {strides = array<i32>} : memref<32x768xf32, #tpu.memory_space<vmem>>, vector<1x16xf32>,
      %get3A_353 = arith.constant 0 : i32
      %get3A_354 = arith.index_cast %get3A_353 : i32 to index
      %get3A_355 = arith.constant 256 : index
      %get3A_356 = tpu.vector_load %arg5[%get3A_354, %get3A_355] {strides = array<i32>} : memref<32x768xf32, #tpu.memory_space<vmem>>, vector<1x16xf32>,
      %get3A_357 = vector.shape_cast %get3A_356 : vector<1x16xf32> to vector<16xf32>
      %swap3A_358 = arith.index_cast %scan3A_194 : i32 to index
      %swap3A_359 = arith.constant 256 : index
      %swap3A_360 = tpu.vector_load %arg5[%swap3A_358, %swap3A_359] {strides = array<i32>} : memref<32x768xf32, #tpu.memory_space<vmem>>, vector<1x16xf32>,
      %swap3A_361 = vector.shape_cast %swap3A_360 : vector<1x16xf32> to vector<16xf32>
      %swap3A_362 = vector.shape_cast %get3A_357 : vector<16xf32> to vector<1x16xf32>
      tpu.vector_store %arg5[%swap3A_358, %swap3A_359], %swap3A_362 {strides = array<i32>} : memref<32x768xf32, #tpu.memory_space<vmem>>, vector<1x16xf32>,
      %get3A_363 = arith.constant 0 : i32
      %get3A_364 = arith.index_cast %get3A_363 : i32 to index
      %get3A_365 = arith.constant 272 : index
      %get3A_366 = tpu.vector_load %arg5[%get3A_364, %get3A_365] {strides = array<i32>} : memref<32x768xf32, #tpu.memory_space<vmem>>, vector<1x16xf32>,
      %get3A_367 = vector.shape_cast %get3A_366 : vector<1x16xf32> to vector<16xf32>
      %swap3A_368 = arith.index_cast %scan3A_194 : i32 to index
      %swap3A_369 = arith.constant 272 : index
      %swap3A_370 = tpu.vector_load %arg5[%swap3A_368, %swap3A_369] {strides = array<i32>} : memref<32x768xf32, #tpu.memory_space<vmem>>, vector<1x16xf32>,
      %swap3A_371 = vector.shape_cast %swap3A_370 : vector<1x16xf32> to vector<16xf32>
      %swap3A_372 = vector.shape_cast %get3A_367 : vector<16xf32> to vector<1x16xf32>
      tpu.vector_store %arg5[%swap3A_368, %swap3A_369], %swap3A_372 {strides = array<i32>} : memref<32x768xf32, #tpu.memory_space<vmem>>, vector<1x16xf32>,
      %get3A_373 = arith.constant 0 : i32
      %get3A_374 = arith.index_cast %get3A_373 : i32 to index
      %get3A_375 = arith.constant 288 : index
      %get3A_376 = tpu.vector_load %arg5[%get3A_374, %get3A_375] {strides = array<i32>} : memref<32x768xf32, #tpu.memory_space<vmem>>, vector<1x16xf32>,
      %get3A_377 = vector.shape_cast %get3A_376 : vector<1x16xf32> to vector<16xf32>
      %swap3A_378 = arith.index_cast %scan3A_194 : i32 to index
      %swap3A_379 = arith.constant 288 : index
      %swap3A_380 = tpu.vector_load %arg5[%swap3A_378, %swap3A_379] {strides = array<i32>} : memref<32x768xf32, #tpu.memory_space<vmem>>, vector<1x16xf32>,
      %swap3A_381 = vector.shape_cast %swap3A_380 : vector<1x16xf32> to vector<16xf32>
      %swap3A_382 = vector.shape_cast %get3A_377 : vector<16xf32> to vector<1x16xf32>
      tpu.vector_store %arg5[%swap3A_378, %swap3A_379], %swap3A_382 {strides = array<i32>} : memref<32x768xf32, #tpu.memory_space<vmem>>, vector<1x16xf32>,
      %get3A_383 = arith.constant 0 : i32
      %get3A_384 = arith.index_cast %get3A_383 : i32 to index
      %get3A_385 = arith.constant 304 : index
      %get3A_386 = tpu.vector_load %arg5[%get3A_384, %get3A_385] {strides = array<i32>} : memref<32x768xf32, #tpu.memory_space<vmem>>, vector<1x16xf32>,
      %get3A_387 = vector.shape_cast %get3A_386 : vector<1x16xf32> to vector<16xf32>
      %swap3A_388 = arith.index_cast %scan3A_194 : i32 to index
      %swap3A_389 = arith.constant 304 : index
      %swap3A_390 = tpu.vector_load %arg5[%swap3A_388, %swap3A_389] {strides = array<i32>} : memref<32x768xf32, #tpu.memory_space<vmem>>, vector<1x16xf32>,
      %swap3A_391 = vector.shape_cast %swap3A_390 : vector<1x16xf32> to vector<16xf32>
      %swap3A_392 = vector.shape_cast %get3A_387 : vector<16xf32> to vector<1x16xf32>
      tpu.vector_store %arg5[%swap3A_388, %swap3A_389], %swap3A_392 {strides = array<i32>} : memref<32x768xf32, #tpu.memory_space<vmem>>, vector<1x16xf32>,
      %get3A_393 = arith.constant 0 : i32
      %get3A_394 = arith.index_cast %get3A_393 : i32 to index
      %get3A_395 = arith.constant 320 : index
      %get3A_396 = tpu.vector_load %arg5[%get3A_394, %get3A_395] {strides = array<i32>} : memref<32x768xf32, #tpu.memory_space<vmem>>, vector<1x16xf32>,
      %get3A_397 = vector.shape_cast %get3A_396 : vector<1x16xf32> to vector<16xf32>
      %swap3A_398 = arith.index_cast %scan3A_194 : i32 to index
      %swap3A_399 = arith.constant 320 : index
      %swap3A_400 = tpu.vector_load %arg5[%swap3A_398, %swap3A_399] {strides = array<i32>} : memref<32x768xf32, #tpu.memory_space<vmem>>, vector<1x16xf32>,
      %swap3A_401 = vector.shape_cast %swap3A_400 : vector<1x16xf32> to vector<16xf32>
      %swap3A_402 = vector.shape_cast %get3A_397 : vector<16xf32> to vector<1x16xf32>
      tpu.vector_store %arg5[%swap3A_398, %swap3A_399], %swap3A_402 {strides = array<i32>} : memref<32x768xf32, #tpu.memory_space<vmem>>, vector<1x16xf32>,
      %get3A_403 = arith.constant 0 : i32
      %get3A_404 = arith.index_cast %get3A_403 : i32 to index
      %get3A_405 = arith.constant 336 : index
      %get3A_406 = tpu.vector_load %arg5[%get3A_404, %get3A_405] {strides = array<i32>} : memref<32x768xf32, #tpu.memory_space<vmem>>, vector<1x16xf32>,
      %get3A_407 = vector.shape_cast %get3A_406 : vector<1x16xf32> to vector<16xf32>
      %swap3A_408 = arith.index_cast %scan3A_194 : i32 to index
      %swap3A_409 = arith.constant 336 : index
      %swap3A_410 = tpu.vector_load %arg5[%swap3A_408, %swap3A_409] {strides = array<i32>} : memref<32x768xf32, #tpu.memory_space<vmem>>, vector<1x16xf32>,
      %swap3A_411 = vector.shape_cast %swap3A_410 : vector<1x16xf32> to vector<16xf32>
      %swap3A_412 = vector.shape_cast %get3A_407 : vector<16xf32> to vector<1x16xf32>
      tpu.vector_store %arg5[%swap3A_408, %swap3A_409], %swap3A_412 {strides = array<i32>} : memref<32x768xf32, #tpu.memory_space<vmem>>, vector<1x16xf32>,
      %get3A_413 = arith.constant 0 : i32
      %get3A_414 = arith.index_cast %get3A_413 : i32 to index
      %get3A_415 = arith.constant 352 : index
      %get3A_416 = tpu.vector_load %arg5[%get3A_414, %get3A_415] {strides = array<i32>} : memref<32x768xf32, #tpu.memory_space<vmem>>, vector<1x16xf32>,
      %get3A_417 = vector.shape_cast %get3A_416 : vector<1x16xf32> to vector<16xf32>
      %swap3A_418 = arith.index_cast %scan3A_194 : i32 to index
      %swap3A_419 = arith.constant 352 : index
      %swap3A_420 = tpu.vector_load %arg5[%swap3A_418, %swap3A_419] {strides = array<i32>} : memref<32x768xf32, #tpu.memory_space<vmem>>, vector<1x16xf32>,
      %swap3A_421 = vector.shape_cast %swap3A_420 : vector<1x16xf32> to vector<16xf32>
      %swap3A_422 = vector.shape_cast %get3A_417 : vector<16xf32> to vector<1x16xf32>
      tpu.vector_store %arg5[%swap3A_418, %swap3A_419], %swap3A_422 {strides = array<i32>} : memref<32x768xf32, #tpu.memory_space<vmem>>, vector<1x16xf32>,
      %get3A_423 = arith.constant 0 : i32
      %get3A_424 = arith.index_cast %get3A_423 : i32 to index
      %get3A_425 = arith.constant 368 : index
      %get3A_426 = tpu.vector_load %arg5[%get3A_424, %get3A_425] {strides = array<i32>} : memref<32x768xf32, #tpu.memory_space<vmem>>, vector<1x16xf32>,
      %get3A_427 = vector.shape_cast %get3A_426 : vector<1x16xf32> to vector<16xf32>
      %swap3A_428 = arith.index_cast %scan3A_194 : i32 to index
      %swap3A_429 = arith.constant 368 : index
      %swap3A_430 = tpu.vector_load %arg5[%swap3A_428, %swap3A_429] {strides = array<i32>} : memref<32x768xf32, #tpu.memory_space<vmem>>, vector<1x16xf32>,
      %swap3A_431 = vector.shape_cast %swap3A_430 : vector<1x16xf32> to vector<16xf32>
      %swap3A_432 = vector.shape_cast %get3A_427 : vector<16xf32> to vector<1x16xf32>
      tpu.vector_store %arg5[%swap3A_428, %swap3A_429], %swap3A_432 {strides = array<i32>} : memref<32x768xf32, #tpu.memory_space<vmem>>, vector<1x16xf32>,
      %get3A_433 = arith.constant 0 : i32
      %get3A_434 = arith.index_cast %get3A_433 : i32 to index
      %get3A_435 = arith.constant 384 : index
      %get3A_436 = tpu.vector_load %arg5[%get3A_434, %get3A_435] {strides = array<i32>} : memref<32x768xf32, #tpu.memory_space<vmem>>, vector<1x16xf32>,
      %get3A_437 = vector.shape_cast %get3A_436 : vector<1x16xf32> to vector<16xf32>
      %swap3A_438 = arith.index_cast %scan3A_194 : i32 to index
      %swap3A_439 = arith.constant 384 : index
      %swap3A_440 = tpu.vector_load %arg5[%swap3A_438, %swap3A_439] {strides = array<i32>} : memref<32x768xf32, #tpu.memory_space<vmem>>, vector<1x16xf32>,
      %swap3A_441 = vector.shape_cast %swap3A_440 : vector<1x16xf32> to vector<16xf32>
      %swap3A_442 = vector.shape_cast %get3A_437 : vector<16xf32> to vector<1x16xf32>
      tpu.vector_store %arg5[%swap3A_438, %swap3A_439], %swap3A_442 {strides = array<i32>} : memref<32x768xf32, #tpu.memory_space<vmem>>, vector<1x16xf32>,
      %get3A_443 = arith.constant 0 : i32
      %get3A_444 = arith.index_cast %get3A_443 : i32 to index
      %get3A_445 = arith.constant 400 : index
      %get3A_446 = tpu.vector_load %arg5[%get3A_444, %get3A_445] {strides = array<i32>} : memref<32x768xf32, #tpu.memory_space<vmem>>, vector<1x16xf32>,
      %get3A_447 = vector.shape_cast %get3A_446 : vector<1x16xf32> to vector<16xf32>
      %swap3A_448 = arith.index_cast %scan3A_194 : i32 to index
      %swap3A_449 = arith.constant 400 : index
      %swap3A_450 = tpu.vector_load %arg5[%swap3A_448, %swap3A_449] {strides = array<i32>} : memref<32x768xf32, #tpu.memory_space<vmem>>, vector<1x16xf32>,
      %swap3A_451 = vector.shape_cast %swap3A_450 : vector<1x16xf32> to vector<16xf32>
      %swap3A_452 = vector.shape_cast %get3A_447 : vector<16xf32> to vector<1x16xf32>
      tpu.vector_store %arg5[%swap3A_448, %swap3A_449], %swap3A_452 {strides = array<i32>} : memref<32x768xf32, #tpu.memory_space<vmem>>, vector<1x16xf32>,
      %get3A_453 = arith.constant 0 : i32
      %get3A_454 = arith.index_cast %get3A_453 : i32 to index
      %get3A_455 = arith.constant 416 : index
      %get3A_456 = tpu.vector_load %arg5[%get3A_454, %get3A_455] {strides = array<i32>} : memref<32x768xf32, #tpu.memory_space<vmem>>, vector<1x16xf32>,
      %get3A_457 = vector.shape_cast %get3A_456 : vector<1x16xf32> to vector<16xf32>
      %swap3A_458 = arith.index_cast %scan3A_194 : i32 to index
      %swap3A_459 = arith.constant 416 : index
      %swap3A_460 = tpu.vector_load %arg5[%swap3A_458, %swap3A_459] {strides = array<i32>} : memref<32x768xf32, #tpu.memory_space<vmem>>, vector<1x16xf32>,
      %swap3A_461 = vector.shape_cast %swap3A_460 : vector<1x16xf32> to vector<16xf32>
      %swap3A_462 = vector.shape_cast %get3A_457 : vector<16xf32> to vector<1x16xf32>
      tpu.vector_store %arg5[%swap3A_458, %swap3A_459], %swap3A_462 {strides = array<i32>} : memref<32x768xf32, #tpu.memory_space<vmem>>, vector<1x16xf32>,
      %get3A_463 = arith.constant 0 : i32
      %get3A_464 = arith.index_cast %get3A_463 : i32 to index
      %get3A_465 = arith.constant 432 : index
      %get3A_466 = tpu.vector_load %arg5[%get3A_464, %get3A_465] {strides = array<i32>} : memref<32x768xf32, #tpu.memory_space<vmem>>, vector<1x16xf32>,
      %get3A_467 = vector.shape_cast %get3A_466 : vector<1x16xf32> to vector<16xf32>
      %swap3A_468 = arith.index_cast %scan3A_194 : i32 to index
      %swap3A_469 = arith.constant 432 : index
      %swap3A_470 = tpu.vector_load %arg5[%swap3A_468, %swap3A_469] {strides = array<i32>} : memref<32x768xf32, #tpu.memory_space<vmem>>, vector<1x16xf32>,
      %swap3A_471 = vector.shape_cast %swap3A_470 : vector<1x16xf32> to vector<16xf32>
      %swap3A_472 = vector.shape_cast %get3A_467 : vector<16xf32> to vector<1x16xf32>
      tpu.vector_store %arg5[%swap3A_468, %swap3A_469], %swap3A_472 {strides = array<i32>} : memref<32x768xf32, #tpu.memory_space<vmem>>, vector<1x16xf32>,
      %get3A_473 = arith.constant 0 : i32
      %get3A_474 = arith.index_cast %get3A_473 : i32 to index
      %get3A_475 = arith.constant 448 : index
      %get3A_476 = tpu.vector_load %arg5[%get3A_474, %get3A_475] {strides = array<i32>} : memref<32x768xf32, #tpu.memory_space<vmem>>, vector<1x16xf32>,
      %get3A_477 = vector.shape_cast %get3A_476 : vector<1x16xf32> to vector<16xf32>
      %swap3A_478 = arith.index_cast %scan3A_194 : i32 to index
      %swap3A_479 = arith.constant 448 : index
      %swap3A_480 = tpu.vector_load %arg5[%swap3A_478, %swap3A_479] {strides = array<i32>} : memref<32x768xf32, #tpu.memory_space<vmem>>, vector<1x16xf32>,
      %swap3A_481 = vector.shape_cast %swap3A_480 : vector<1x16xf32> to vector<16xf32>
      %swap3A_482 = vector.shape_cast %get3A_477 : vector<16xf32> to vector<1x16xf32>
      tpu.vector_store %arg5[%swap3A_478, %swap3A_479], %swap3A_482 {strides = array<i32>} : memref<32x768xf32, #tpu.memory_space<vmem>>, vector<1x16xf32>,
      %get3A_483 = arith.constant 0 : i32
      %get3A_484 = arith.index_cast %get3A_483 : i32 to index
      %get3A_485 = arith.constant 464 : index
      %get3A_486 = tpu.vector_load %arg5[%get3A_484, %get3A_485] {strides = array<i32>} : memref<32x768xf32, #tpu.memory_space<vmem>>, vector<1x16xf32>,
      %get3A_487 = vector.shape_cast %get3A_486 : vector<1x16xf32> to vector<16xf32>
      %swap3A_488 = arith.index_cast %scan3A_194 : i32 to index
      %swap3A_489 = arith.constant 464 : index
      %swap3A_490 = tpu.vector_load %arg5[%swap3A_488, %swap3A_489] {strides = array<i32>} : memref<32x768xf32, #tpu.memory_space<vmem>>, vector<1x16xf32>,
      %swap3A_491 = vector.shape_cast %swap3A_490 : vector<1x16xf32> to vector<16xf32>
      %swap3A_492 = vector.shape_cast %get3A_487 : vector<16xf32> to vector<1x16xf32>
      tpu.vector_store %arg5[%swap3A_488, %swap3A_489], %swap3A_492 {strides = array<i32>} : memref<32x768xf32, #tpu.memory_space<vmem>>, vector<1x16xf32>,
      %get3A_493 = arith.constant 0 : i32
      %get3A_494 = arith.index_cast %get3A_493 : i32 to index
      %get3A_495 = arith.constant 480 : index
      %get3A_496 = tpu.vector_load %arg5[%get3A_494, %get3A_495] {strides = array<i32>} : memref<32x768xf32, #tpu.memory_space<vmem>>, vector<1x16xf32>,
      %get3A_497 = vector.shape_cast %get3A_496 : vector<1x16xf32> to vector<16xf32>
      %swap3A_498 = arith.index_cast %scan3A_194 : i32 to index
      %swap3A_499 = arith.constant 480 : index
      %swap3A_500 = tpu.vector_load %arg5[%swap3A_498, %swap3A_499] {strides = array<i32>} : memref<32x768xf32, #tpu.memory_space<vmem>>, vector<1x16xf32>,
      %swap3A_501 = vector.shape_cast %swap3A_500 : vector<1x16xf32> to vector<16xf32>
      %swap3A_502 = vector.shape_cast %get3A_497 : vector<16xf32> to vector<1x16xf32>
      tpu.vector_store %arg5[%swap3A_498, %swap3A_499], %swap3A_502 {strides = array<i32>} : memref<32x768xf32, #tpu.memory_space<vmem>>, vector<1x16xf32>,
      %get3A_503 = arith.constant 0 : i32
      %get3A_504 = arith.index_cast %get3A_503 : i32 to index
      %get3A_505 = arith.constant 496 : index
      %get3A_506 = tpu.vector_load %arg5[%get3A_504, %get3A_505] {strides = array<i32>} : memref<32x768xf32, #tpu.memory_space<vmem>>, vector<1x16xf32>,
      %get3A_507 = vector.shape_cast %get3A_506 : vector<1x16xf32> to vector<16xf32>
      %swap3A_508 = arith.index_cast %scan3A_194 : i32 to index
      %swap3A_509 = arith.constant 496 : index
      %swap3A_510 = tpu.vector_load %arg5[%swap3A_508, %swap3A_509] {strides = array<i32>} : memref<32x768xf32, #tpu.memory_space<vmem>>, vector<1x16xf32>,
      %swap3A_511 = vector.shape_cast %swap3A_510 : vector<1x16xf32> to vector<16xf32>
      %swap3A_512 = vector.shape_cast %get3A_507 : vector<16xf32> to vector<1x16xf32>
      tpu.vector_store %arg5[%swap3A_508, %swap3A_509], %swap3A_512 {strides = array<i32>} : memref<32x768xf32, #tpu.memory_space<vmem>>, vector<1x16xf32>,
      %get3A_513 = arith.constant 0 : i32
      %get3A_514 = arith.index_cast %get3A_513 : i32 to index
      %get3A_515 = arith.constant 512 : index
      %get3A_516 = tpu.vector_load %arg5[%get3A_514, %get3A_515] {strides = array<i32>} : memref<32x768xf32, #tpu.memory_space<vmem>>, vector<1x16xf32>,
      %get3A_517 = vector.shape_cast %get3A_516 : vector<1x16xf32> to vector<16xf32>
      %swap3A_518 = arith.index_cast %scan3A_194 : i32 to index
      %swap3A_519 = arith.constant 512 : index
      %swap3A_520 = tpu.vector_load %arg5[%swap3A_518, %swap3A_519] {strides = array<i32>} : memref<32x768xf32, #tpu.memory_space<vmem>>, vector<1x16xf32>,
      %swap3A_521 = vector.shape_cast %swap3A_520 : vector<1x16xf32> to vector<16xf32>
      %swap3A_522 = vector.shape_cast %get3A_517 : vector<16xf32> to vector<1x16xf32>
      tpu.vector_store %arg5[%swap3A_518, %swap3A_519], %swap3A_522 {strides = array<i32>} : memref<32x768xf32, #tpu.memory_space<vmem>>, vector<1x16xf32>,
      %get3A_523 = arith.constant 0 : i32
      %get3A_524 = arith.index_cast %get3A_523 : i32 to index
      %get3A_525 = arith.constant 528 : index
      %get3A_526 = tpu.vector_load %arg5[%get3A_524, %get3A_525] {strides = array<i32>} : memref<32x768xf32, #tpu.memory_space<vmem>>, vector<1x16xf32>,
      %get3A_527 = vector.shape_cast %get3A_526 : vector<1x16xf32> to vector<16xf32>
      %swap3A_528 = arith.index_cast %scan3A_194 : i32 to index
      %swap3A_529 = arith.constant 528 : index
      %swap3A_530 = tpu.vector_load %arg5[%swap3A_528, %swap3A_529] {strides = array<i32>} : memref<32x768xf32, #tpu.memory_space<vmem>>, vector<1x16xf32>,
      %swap3A_531 = vector.shape_cast %swap3A_530 : vector<1x16xf32> to vector<16xf32>
      %swap3A_532 = vector.shape_cast %get3A_527 : vector<16xf32> to vector<1x16xf32>
      tpu.vector_store %arg5[%swap3A_528, %swap3A_529], %swap3A_532 {strides = array<i32>} : memref<32x768xf32, #tpu.memory_space<vmem>>, vector<1x16xf32>,
      %get3A_533 = arith.constant 0 : i32
      %get3A_534 = arith.index_cast %get3A_533 : i32 to index
      %get3A_535 = arith.constant 544 : index
      %get3A_536 = tpu.vector_load %arg5[%get3A_534, %get3A_535] {strides = array<i32>} : memref<32x768xf32, #tpu.memory_space<vmem>>, vector<1x16xf32>,
      %get3A_537 = vector.shape_cast %get3A_536 : vector<1x16xf32> to vector<16xf32>
      %swap3A_538 = arith.index_cast %scan3A_194 : i32 to index
      %swap3A_539 = arith.constant 544 : index
      %swap3A_540 = tpu.vector_load %arg5[%swap3A_538, %swap3A_539] {strides = array<i32>} : memref<32x768xf32, #tpu.memory_space<vmem>>, vector<1x16xf32>,
      %swap3A_541 = vector.shape_cast %swap3A_540 : vector<1x16xf32> to vector<16xf32>
      %swap3A_542 = vector.shape_cast %get3A_537 : vector<16xf32> to vector<1x16xf32>
      tpu.vector_store %arg5[%swap3A_538, %swap3A_539], %swap3A_542 {strides = array<i32>} : memref<32x768xf32, #tpu.memory_space<vmem>>, vector<1x16xf32>,
      %get3A_543 = arith.constant 0 : i32
      %get3A_544 = arith.index_cast %get3A_543 : i32 to index
      %get3A_545 = arith.constant 560 : index
      %get3A_546 = tpu.vector_load %arg5[%get3A_544, %get3A_545] {strides = array<i32>} : memref<32x768xf32, #tpu.memory_space<vmem>>, vector<1x16xf32>,
      %get3A_547 = vector.shape_cast %get3A_546 : vector<1x16xf32> to vector<16xf32>
      %swap3A_548 = arith.index_cast %scan3A_194 : i32 to index
      %swap3A_549 = arith.constant 560 : index
      %swap3A_550 = tpu.vector_load %arg5[%swap3A_548, %swap3A_549] {strides = array<i32>} : memref<32x768xf32, #tpu.memory_space<vmem>>, vector<1x16xf32>,
      %swap3A_551 = vector.shape_cast %swap3A_550 : vector<1x16xf32> to vector<16xf32>
      %swap3A_552 = vector.shape_cast %get3A_547 : vector<16xf32> to vector<1x16xf32>
      tpu.vector_store %arg5[%swap3A_548, %swap3A_549], %swap3A_552 {strides = array<i32>} : memref<32x768xf32, #tpu.memory_space<vmem>>, vector<1x16xf32>,
      %get3A_553 = arith.constant 0 : i32
      %get3A_554 = arith.index_cast %get3A_553 : i32 to index
      %get3A_555 = arith.constant 576 : index
      %get3A_556 = tpu.vector_load %arg5[%get3A_554, %get3A_555] {strides = array<i32>} : memref<32x768xf32, #tpu.memory_space<vmem>>, vector<1x16xf32>,
      %get3A_557 = vector.shape_cast %get3A_556 : vector<1x16xf32> to vector<16xf32>
      %swap3A_558 = arith.index_cast %scan3A_194 : i32 to index
      %swap3A_559 = arith.constant 576 : index
      %swap3A_560 = tpu.vector_load %arg5[%swap3A_558, %swap3A_559] {strides = array<i32>} : memref<32x768xf32, #tpu.memory_space<vmem>>, vector<1x16xf32>,
      %swap3A_561 = vector.shape_cast %swap3A_560 : vector<1x16xf32> to vector<16xf32>
      %swap3A_562 = vector.shape_cast %get3A_557 : vector<16xf32> to vector<1x16xf32>
      tpu.vector_store %arg5[%swap3A_558, %swap3A_559], %swap3A_562 {strides = array<i32>} : memref<32x768xf32, #tpu.memory_space<vmem>>, vector<1x16xf32>,
      %get3A_563 = arith.constant 0 : i32
      %get3A_564 = arith.index_cast %get3A_563 : i32 to index
      %get3A_565 = arith.constant 592 : index
      %get3A_566 = tpu.vector_load %arg5[%get3A_564, %get3A_565] {strides = array<i32>} : memref<32x768xf32, #tpu.memory_space<vmem>>, vector<1x16xf32>,
      %get3A_567 = vector.shape_cast %get3A_566 : vector<1x16xf32> to vector<16xf32>
      %swap3A_568 = arith.index_cast %scan3A_194 : i32 to index
      %swap3A_569 = arith.constant 592 : index
      %swap3A_570 = tpu.vector_load %arg5[%swap3A_568, %swap3A_569] {strides = array<i32>} : memref<32x768xf32, #tpu.memory_space<vmem>>, vector<1x16xf32>,
      %swap3A_571 = vector.shape_cast %swap3A_570 : vector<1x16xf32> to vector<16xf32>
      %swap3A_572 = vector.shape_cast %get3A_567 : vector<16xf32> to vector<1x16xf32>
      tpu.vector_store %arg5[%swap3A_568, %swap3A_569], %swap3A_572 {strides = array<i32>} : memref<32x768xf32, #tpu.memory_space<vmem>>, vector<1x16xf32>,
      %get3A_573 = arith.constant 0 : i32
      %get3A_574 = arith.index_cast %get3A_573 : i32 to index
      %get3A_575 = arith.constant 608 : index
      %get3A_576 = tpu.vector_load %arg5[%get3A_574, %get3A_575] {strides = array<i32>} : memref<32x768xf32, #tpu.memory_space<vmem>>, vector<1x16xf32>,
      %get3A_577 = vector.shape_cast %get3A_576 : vector<1x16xf32> to vector<16xf32>
      %swap3A_578 = arith.index_cast %scan3A_194 : i32 to index
      %swap3A_579 = arith.constant 608 : index
      %swap3A_580 = tpu.vector_load %arg5[%swap3A_578, %swap3A_579] {strides = array<i32>} : memref<32x768xf32, #tpu.memory_space<vmem>>, vector<1x16xf32>,
      %swap3A_581 = vector.shape_cast %swap3A_580 : vector<1x16xf32> to vector<16xf32>
      %swap3A_582 = vector.shape_cast %get3A_577 : vector<16xf32> to vector<1x16xf32>
      tpu.vector_store %arg5[%swap3A_578, %swap3A_579], %swap3A_582 {strides = array<i32>} : memref<32x768xf32, #tpu.memory_space<vmem>>, vector<1x16xf32>,
      %get3A_583 = arith.constant 0 : i32
      %get3A_584 = arith.index_cast %get3A_583 : i32 to index
      %get3A_585 = arith.constant 624 : index
      %get3A_586 = tpu.vector_load %arg5[%get3A_584, %get3A_585] {strides = array<i32>} : memref<32x768xf32, #tpu.memory_space<vmem>>, vector<1x16xf32>,
      %get3A_587 = vector.shape_cast %get3A_586 : vector<1x16xf32> to vector<16xf32>
      %swap3A_588 = arith.index_cast %scan3A_194 : i32 to index
      %swap3A_589 = arith.constant 624 : index
      %swap3A_590 = tpu.vector_load %arg5[%swap3A_588, %swap3A_589] {strides = array<i32>} : memref<32x768xf32, #tpu.memory_space<vmem>>, vector<1x16xf32>,
      %swap3A_591 = vector.shape_cast %swap3A_590 : vector<1x16xf32> to vector<16xf32>
      %swap3A_592 = vector.shape_cast %get3A_587 : vector<16xf32> to vector<1x16xf32>
      tpu.vector_store %arg5[%swap3A_588, %swap3A_589], %swap3A_592 {strides = array<i32>} : memref<32x768xf32, #tpu.memory_space<vmem>>, vector<1x16xf32>,
      %get3A_593 = arith.constant 0 : i32
      %get3A_594 = arith.index_cast %get3A_593 : i32 to index
      %get3A_595 = arith.constant 640 : index
      %get3A_596 = tpu.vector_load %arg5[%get3A_594, %get3A_595] {strides = array<i32>} : memref<32x768xf32, #tpu.memory_space<vmem>>, vector<1x16xf32>,
      %get3A_597 = vector.shape_cast %get3A_596 : vector<1x16xf32> to vector<16xf32>
      %swap3A_598 = arith.index_cast %scan3A_194 : i32 to index
      %swap3A_599 = arith.constant 640 : index
      %swap3A_600 = tpu.vector_load %arg5[%swap3A_598, %swap3A_599] {strides = array<i32>} : memref<32x768xf32, #tpu.memory_space<vmem>>, vector<1x16xf32>,
      %swap3A_601 = vector.shape_cast %swap3A_600 : vector<1x16xf32> to vector<16xf32>
      %swap3A_602 = vector.shape_cast %get3A_597 : vector<16xf32> to vector<1x16xf32>
      tpu.vector_store %arg5[%swap3A_598, %swap3A_599], %swap3A_602 {strides = array<i32>} : memref<32x768xf32, #tpu.memory_space<vmem>>, vector<1x16xf32>,
      %get3A_603 = arith.constant 0 : i32
      %get3A_604 = arith.index_cast %get3A_603 : i32 to index
      %get3A_605 = arith.constant 656 : index
      %get3A_606 = tpu.vector_load %arg5[%get3A_604, %get3A_605] {strides = array<i32>} : memref<32x768xf32, #tpu.memory_space<vmem>>, vector<1x16xf32>,
      %get3A_607 = vector.shape_cast %get3A_606 : vector<1x16xf32> to vector<16xf32>
      %swap3A_608 = arith.index_cast %scan3A_194 : i32 to index
      %swap3A_609 = arith.constant 656 : index
      %swap3A_610 = tpu.vector_load %arg5[%swap3A_608, %swap3A_609] {strides = array<i32>} : memref<32x768xf32, #tpu.memory_space<vmem>>, vector<1x16xf32>,
      %swap3A_611 = vector.shape_cast %swap3A_610 : vector<1x16xf32> to vector<16xf32>
      %swap3A_612 = vector.shape_cast %get3A_607 : vector<16xf32> to vector<1x16xf32>
      tpu.vector_store %arg5[%swap3A_608, %swap3A_609], %swap3A_612 {strides = array<i32>} : memref<32x768xf32, #tpu.memory_space<vmem>>, vector<1x16xf32>,
      %get3A_613 = arith.constant 0 : i32
      %get3A_614 = arith.index_cast %get3A_613 : i32 to index
      %get3A_615 = arith.constant 672 : index
      %get3A_616 = tpu.vector_load %arg5[%get3A_614, %get3A_615] {strides = array<i32>} : memref<32x768xf32, #tpu.memory_space<vmem>>, vector<1x16xf32>,
      %get3A_617 = vector.shape_cast %get3A_616 : vector<1x16xf32> to vector<16xf32>
      %swap3A_618 = arith.index_cast %scan3A_194 : i32 to index
      %swap3A_619 = arith.constant 672 : index
      %swap3A_620 = tpu.vector_load %arg5[%swap3A_618, %swap3A_619] {strides = array<i32>} : memref<32x768xf32, #tpu.memory_space<vmem>>, vector<1x16xf32>,
      %swap3A_621 = vector.shape_cast %swap3A_620 : vector<1x16xf32> to vector<16xf32>
      %swap3A_622 = vector.shape_cast %get3A_617 : vector<16xf32> to vector<1x16xf32>
      tpu.vector_store %arg5[%swap3A_618, %swap3A_619], %swap3A_622 {strides = array<i32>} : memref<32x768xf32, #tpu.memory_space<vmem>>, vector<1x16xf32>,
      %get3A_623 = arith.constant 0 : i32
      %get3A_624 = arith.index_cast %get3A_623 : i32 to index
      %get3A_625 = arith.constant 688 : index
      %get3A_626 = tpu.vector_load %arg5[%get3A_624, %get3A_625] {strides = array<i32>} : memref<32x768xf32, #tpu.memory_space<vmem>>, vector<1x16xf32>,
      %get3A_627 = vector.shape_cast %get3A_626 : vector<1x16xf32> to vector<16xf32>
      %swap3A_628 = arith.index_cast %scan3A_194 : i32 to index
      %swap3A_629 = arith.constant 688 : index
      %swap3A_630 = tpu.vector_load %arg5[%swap3A_628, %swap3A_629] {strides = array<i32>} : memref<32x768xf32, #tpu.memory_space<vmem>>, vector<1x16xf32>,
      %swap3A_631 = vector.shape_cast %swap3A_630 : vector<1x16xf32> to vector<16xf32>
      %swap3A_632 = vector.shape_cast %get3A_627 : vector<16xf32> to vector<1x16xf32>
      tpu.vector_store %arg5[%swap3A_628, %swap3A_629], %swap3A_632 {strides = array<i32>} : memref<32x768xf32, #tpu.memory_space<vmem>>, vector<1x16xf32>,
      %get3A_633 = arith.constant 0 : i32
      %get3A_634 = arith.index_cast %get3A_633 : i32 to index
      %get3A_635 = arith.constant 704 : index
      %get3A_636 = tpu.vector_load %arg5[%get3A_634, %get3A_635] {strides = array<i32>} : memref<32x768xf32, #tpu.memory_space<vmem>>, vector<1x16xf32>,
      %get3A_637 = vector.shape_cast %get3A_636 : vector<1x16xf32> to vector<16xf32>
      %swap3A_638 = arith.index_cast %scan3A_194 : i32 to index
      %swap3A_639 = arith.constant 704 : index
      %swap3A_640 = tpu.vector_load %arg5[%swap3A_638, %swap3A_639] {strides = array<i32>} : memref<32x768xf32, #tpu.memory_space<vmem>>, vector<1x16xf32>,
      %swap3A_641 = vector.shape_cast %swap3A_640 : vector<1x16xf32> to vector<16xf32>
      %swap3A_642 = vector.shape_cast %get3A_637 : vector<16xf32> to vector<1x16xf32>
      tpu.vector_store %arg5[%swap3A_638, %swap3A_639], %swap3A_642 {strides = array<i32>} : memref<32x768xf32, #tpu.memory_space<vmem>>, vector<1x16xf32>,
      %get3A_643 = arith.constant 0 : i32
      %get3A_644 = arith.index_cast %get3A_643 : i32 to index
      %get3A_645 = arith.constant 720 : index
      %get3A_646 = tpu.vector_load %arg5[%get3A_644, %get3A_645] {strides = array<i32>} : memref<32x768xf32, #tpu.memory_space<vmem>>, vector<1x16xf32>,
      %get3A_647 = vector.shape_cast %get3A_646 : vector<1x16xf32> to vector<16xf32>
      %swap3A_648 = arith.index_cast %scan3A_194 : i32 to index
      %swap3A_649 = arith.constant 720 : index
      %swap3A_650 = tpu.vector_load %arg5[%swap3A_648, %swap3A_649] {strides = array<i32>} : memref<32x768xf32, #tpu.memory_space<vmem>>, vector<1x16xf32>,
      %swap3A_651 = vector.shape_cast %swap3A_650 : vector<1x16xf32> to vector<16xf32>
      %swap3A_652 = vector.shape_cast %get3A_647 : vector<16xf32> to vector<1x16xf32>
      tpu.vector_store %arg5[%swap3A_648, %swap3A_649], %swap3A_652 {strides = array<i32>} : memref<32x768xf32, #tpu.memory_space<vmem>>, vector<1x16xf32>,
      %get3A_653 = arith.constant 0 : i32
      %get3A_654 = arith.index_cast %get3A_653 : i32 to index
      %get3A_655 = arith.constant 736 : index
      %get3A_656 = tpu.vector_load %arg5[%get3A_654, %get3A_655] {strides = array<i32>} : memref<32x768xf32, #tpu.memory_space<vmem>>, vector<1x16xf32>,
      %get3A_657 = vector.shape_cast %get3A_656 : vector<1x16xf32> to vector<16xf32>
      %swap3A_658 = arith.index_cast %scan3A_194 : i32 to index
      %swap3A_659 = arith.constant 736 : index
      %swap3A_660 = tpu.vector_load %arg5[%swap3A_658, %swap3A_659] {strides = array<i32>} : memref<32x768xf32, #tpu.memory_space<vmem>>, vector<1x16xf32>,
      %swap3A_661 = vector.shape_cast %swap3A_660 : vector<1x16xf32> to vector<16xf32>
      %swap3A_662 = vector.shape_cast %get3A_657 : vector<16xf32> to vector<1x16xf32>
      tpu.vector_store %arg5[%swap3A_658, %swap3A_659], %swap3A_662 {strides = array<i32>} : memref<32x768xf32, #tpu.memory_space<vmem>>, vector<1x16xf32>,
      %get3A_663 = arith.constant 0 : i32
      %get3A_664 = arith.index_cast %get3A_663 : i32 to index
      %get3A_665 = arith.constant 752 : index
      %get3A_666 = tpu.vector_load %arg5[%get3A_664, %get3A_665] {strides = array<i32>} : memref<32x768xf32, #tpu.memory_space<vmem>>, vector<1x16xf32>,
      %get3A_667 = vector.shape_cast %get3A_666 : vector<1x16xf32> to vector<16xf32>
      %swap3A_668 = arith.index_cast %scan3A_194 : i32 to index
      %swap3A_669 = arith.constant 752 : index
      %swap3A_670 = tpu.vector_load %arg5[%swap3A_668, %swap3A_669] {strides = array<i32>} : memref<32x768xf32, #tpu.memory_space<vmem>>, vector<1x16xf32>,
      %swap3A_671 = vector.shape_cast %swap3A_670 : vector<1x16xf32> to vector<16xf32>
      %swap3A_672 = vector.shape_cast %get3A_667 : vector<16xf32> to vector<1x16xf32>
      tpu.vector_store %arg5[%swap3A_668, %swap3A_669], %swap3A_672 {strides = array<i32>} : memref<32x768xf32, #tpu.memory_space<vmem>>, vector<1x16xf32>,
    }
    %scan3A_22 = arith.constant 31 : i32
    %add3A_23 = arith.constant 0 : i32
    %add3A_24 = arith.addi %mul3A_2, %add3A_23 : i32
    %mul3A_25 = arith.constant 256 : i32
    %mul3A_26 = arith.muli %add3A_24, %mul3A_25 : i32
    %add3A_27 = arith.constant 0 : i32
    %add3A_28 = arith.addi %mul3A_26, %add3A_27 : i32
    %dma_start3A_29 = arith.constant 0 : i32
    %dma_start3A_30 = tpu.memref_slice %arg4[%add3A_28, %dma_start3A_29] : memref<16384x768xf32, #tpu.memory_space<hbm>> -> memref<32x768xf32, #tpu.memory_space<hbm>>
    %dma_start3A_31 = arith.constant 0 : i32
    %dma_start3A_32 = tpu.memref_slice %arg4[%add3A_28, %dma_start3A_31] : memref<16384x768xf32, #tpu.memory_space<hbm>> -> memref<32x768xf32, #tpu.memory_space<hbm>>
    tpu.enqueue_dma source(%arg5 : memref<32x768xf32, #tpu.memory_space<vmem>>) target(%dma_start3A_32 : memref<32x768xf32, #tpu.memory_space<hbm>>) target_semaphore(%arg9 : memref<!tpu.dma_semaphore, #tpu.memory_space<semaphore_mem>>)
    %add3A_33 = arith.constant 32 : i32
    %add3A_34 = arith.addi %mul3A_26, %add3A_33 : i32
    %dma_start3A_35 = arith.constant 0 : i32
    %dma_start3A_36 = tpu.memref_slice %arg4[%add3A_34, %dma_start3A_35] : memref<16384x768xf32, #tpu.memory_space<hbm>> -> memref<32x768xf32, #tpu.memory_space<hbm>>
    %dma_start3A_37 = arith.constant 0 : i32
    %dma_start3A_38 = tpu.memref_slice %arg4[%add3A_34, %dma_start3A_37] : memref<16384x768xf32, #tpu.memory_space<hbm>> -> memref<32x768xf32, #tpu.memory_space<hbm>>
    tpu.enqueue_dma source(%arg5 : memref<32x768xf32, #tpu.memory_space<vmem>>) target(%dma_start3A_38 : memref<32x768xf32, #tpu.memory_space<hbm>>) target_semaphore(%arg9 : memref<!tpu.dma_semaphore, #tpu.memory_space<semaphore_mem>>)
    %add3A_39 = arith.constant 64 : i32
    %add3A_40 = arith.addi %mul3A_26, %add3A_39 : i32
    %dma_start3A_41 = arith.constant 0 : i32
    %dma_start3A_42 = tpu.memref_slice %arg4[%add3A_40, %dma_start3A_41] : memref<16384x768xf32, #tpu.memory_space<hbm>> -> memref<32x768xf32, #tpu.memory_space<hbm>>
    %dma_start3A_43 = arith.constant 0 : i32
    %dma_start3A_44 = tpu.memref_slice %arg4[%add3A_40, %dma_start3A_43] : memref<16384x768xf32, #tpu.memory_space<hbm>> -> memref<32x768xf32, #tpu.memory_space<hbm>>
    tpu.enqueue_dma source(%arg5 : memref<32x768xf32, #tpu.memory_space<vmem>>) target(%dma_start3A_44 : memref<32x768xf32, #tpu.memory_space<hbm>>) target_semaphore(%arg9 : memref<!tpu.dma_semaphore, #tpu.memory_space<semaphore_mem>>)
    %add3A_45 = arith.constant 96 : i32
    %add3A_46 = arith.addi %mul3A_26, %add3A_45 : i32
    %dma_start3A_47 = arith.constant 0 : i32
    %dma_start3A_48 = tpu.memref_slice %arg4[%add3A_46, %dma_start3A_47] : memref<16384x768xf32, #tpu.memory_space<hbm>> -> memref<32x768xf32, #tpu.memory_space<hbm>>
    %dma_start3A_49 = arith.constant 0 : i32
    %dma_start3A_50 = tpu.memref_slice %arg4[%add3A_46, %dma_start3A_49] : memref<16384x768xf32, #tpu.memory_space<hbm>> -> memref<32x768xf32, #tpu.memory_space<hbm>>
    tpu.enqueue_dma source(%arg5 : memref<32x768xf32, #tpu.memory_space<vmem>>) target(%dma_start3A_50 : memref<32x768xf32, #tpu.memory_space<hbm>>) target_semaphore(%arg9 : memref<!tpu.dma_semaphore, #tpu.memory_space<semaphore_mem>>)
    %add3A_51 = arith.constant 192 : i32
    %add3A_52 = arith.addi %mul3A_26, %add3A_51 : i32
    %add3A_53 = arith.constant 0 : i32
    %add3A_54 = arith.addi %add3A_52, %add3A_53 : i32
    %dma_start3A_55 = arith.constant 0 : i32
    %dma_start3A_56 = tpu.memref_slice %arg4[%add3A_54, %dma_start3A_55] : memref<16384x768xf32, #tpu.memory_space<hbm>> -> memref<32x768xf32, #tpu.memory_space<hbm>>
    %dma_start3A_57 = arith.constant 0 : i32
    %dma_start3A_58 = tpu.memref_slice %arg4[%add3A_54, %dma_start3A_57] : memref<16384x768xf32, #tpu.memory_space<hbm>> -> memref<32x768xf32, #tpu.memory_space<hbm>>
    tpu.enqueue_dma source(%arg5 : memref<32x768xf32, #tpu.memory_space<vmem>>) target(%dma_start3A_58 : memref<32x768xf32, #tpu.memory_space<hbm>>) target_semaphore(%arg9 : memref<!tpu.dma_semaphore, #tpu.memory_space<semaphore_mem>>)
    %add3A_59 = arith.constant 192 : i32
    %add3A_60 = arith.addi %mul3A_26, %add3A_59 : i32
    %add3A_61 = arith.constant 32 : i32
    %add3A_62 = arith.addi %add3A_60, %add3A_61 : i32
    %dma_start3A_63 = arith.constant 0 : i32
    %dma_start3A_64 = tpu.memref_slice %arg4[%add3A_62, %dma_start3A_63] : memref<16384x768xf32, #tpu.memory_space<hbm>> -> memref<32x768xf32, #tpu.memory_space<hbm>>
    %dma_start3A_65 = arith.constant 0 : i32
    %dma_start3A_66 = tpu.memref_slice %arg4[%add3A_62, %dma_start3A_65] : memref<16384x768xf32, #tpu.memory_space<hbm>> -> memref<32x768xf32, #tpu.memory_space<hbm>>
    tpu.enqueue_dma source(%arg5 : memref<32x768xf32, #tpu.memory_space<vmem>>) target(%dma_start3A_66 : memref<32x768xf32, #tpu.memory_space<hbm>>) target_semaphore(%arg9 : memref<!tpu.dma_semaphore, #tpu.memory_space<semaphore_mem>>)
    %add3A_67 = arith.constant 1 : i32
    %add3A_68 = arith.addi %mul3A_2, %add3A_67 : i32
    %mul3A_69 = arith.constant 256 : i32
    %mul3A_70 = arith.muli %add3A_68, %mul3A_69 : i32
    %add3A_71 = arith.constant 0 : i32
    %add3A_72 = arith.addi %mul3A_70, %add3A_71 : i32
    %dma_start3A_73 = arith.constant 0 : i32
    %dma_start3A_74 = tpu.memref_slice %arg4[%add3A_72, %dma_start3A_73] : memref<16384x768xf32, #tpu.memory_space<hbm>> -> memref<32x768xf32, #tpu.memory_space<hbm>>
    %dma_start3A_75 = arith.constant 0 : i32
    %dma_start3A_76 = tpu.memref_slice %arg4[%add3A_72, %dma_start3A_75] : memref<16384x768xf32, #tpu.memory_space<hbm>> -> memref<32x768xf32, #tpu.memory_space<hbm>>
    tpu.enqueue_dma source(%arg5 : memref<32x768xf32, #tpu.memory_space<vmem>>) target(%dma_start3A_76 : memref<32x768xf32, #tpu.memory_space<hbm>>) target_semaphore(%arg9 : memref<!tpu.dma_semaphore, #tpu.memory_space<semaphore_mem>>)
    %add3A_77 = arith.constant 32 : i32
    %add3A_78 = arith.addi %mul3A_70, %add3A_77 : i32
    %dma_start3A_79 = arith.constant 0 : i32
    %dma_start3A_80 = tpu.memref_slice %arg4[%add3A_78, %dma_start3A_79] : memref<16384x768xf32, #tpu.memory_space<hbm>> -> memref<32x768xf32, #tpu.memory_space<hbm>>
    %dma_start3A_81 = arith.constant 0 : i32
    %dma_start3A_82 = tpu.memref_slice %arg4[%add3A_78, %dma_start3A_81] : memref<16384x768xf32, #tpu.memory_space<hbm>> -> memref<32x768xf32, #tpu.memory_space<hbm>>
    tpu.enqueue_dma source(%arg5 : memref<32x768xf32, #tpu.memory_space<vmem>>) target(%dma_start3A_82 : memref<32x768xf32, #tpu.memory_space<hbm>>) target_semaphore(%arg9 : memref<!tpu.dma_semaphore, #tpu.memory_space<semaphore_mem>>)
    %add3A_83 = arith.constant 64 : i32
    %add3A_84 = arith.addi %mul3A_70, %add3A_83 : i32
    %dma_start3A_85 = arith.constant 0 : i32
    %dma_start3A_86 = tpu.memref_slice %arg4[%add3A_84, %dma_start3A_85] : memref<16384x768xf32, #tpu.memory_space<hbm>> -> memref<32x768xf32, #tpu.memory_space<hbm>>
    %dma_start3A_87 = arith.constant 0 : i32
    %dma_start3A_88 = tpu.memref_slice %arg4[%add3A_84, %dma_start3A_87] : memref<16384x768xf32, #tpu.memory_space<hbm>> -> memref<32x768xf32, #tpu.memory_space<hbm>>
    tpu.enqueue_dma source(%arg5 : memref<32x768xf32, #tpu.memory_space<vmem>>) target(%dma_start3A_88 : memref<32x768xf32, #tpu.memory_space<hbm>>) target_semaphore(%arg9 : memref<!tpu.dma_semaphore, #tpu.memory_space<semaphore_mem>>)
    %add3A_89 = arith.constant 96 : i32
    %add3A_90 = arith.addi %mul3A_70, %add3A_89 : i32
    %dma_start3A_91 = arith.constant 0 : i32
    %dma_start3A_92 = tpu.memref_slice %arg4[%add3A_90, %dma_start3A_91] : memref<16384x768xf32, #tpu.memory_space<hbm>> -> memref<32x768xf32, #tpu.memory_space<hbm>>
    %dma_start3A_93 = arith.constant 0 : i32
    %dma_start3A_94 = tpu.memref_slice %arg4[%add3A_90, %dma_start3A_93] : memref<16384x768xf32, #tpu.memory_space<hbm>> -> memref<32x768xf32, #tpu.memory_space<hbm>>
    tpu.enqueue_dma source(%arg5 : memref<32x768xf32, #tpu.memory_space<vmem>>) target(%dma_start3A_94 : memref<32x768xf32, #tpu.memory_space<hbm>>) target_semaphore(%arg9 : memref<!tpu.dma_semaphore, #tpu.memory_space<semaphore_mem>>)
    %add3A_95 = arith.constant 192 : i32
    %add3A_96 = arith.addi %mul3A_70, %add3A_95 : i32
    %add3A_97 = arith.constant 0 : i32
    %add3A_98 = arith.addi %add3A_96, %add3A_97 : i32
    %dma_start3A_99 = arith.constant 0 : i32
    %dma_start3A_100 = tpu.memref_slice %arg4[%add3A_98, %dma_start3A_99] : memref<16384x768xf32, #tpu.memory_space<hbm>> -> memref<32x768xf32, #tpu.memory_space<hbm>>
    %dma_start3A_101 = arith.constant 0 : i32
    %dma_start3A_102 = tpu.memref_slice %arg4[%add3A_98, %dma_start3A_101] : memref<16384x768xf32, #tpu.memory_space<hbm>> -> memref<32x768xf32, #tpu.memory_space<hbm>>
    tpu.enqueue_dma source(%arg5 : memref<32x768xf32, #tpu.memory_space<vmem>>) target(%dma_start3A_102 : memref<32x768xf32, #tpu.memory_space<hbm>>) target_semaphore(%arg9 : memref<!tpu.dma_semaphore, #tpu.memory_space<semaphore_mem>>)
    %add3A_103 = arith.constant 192 : i32
    %add3A_104 = arith.addi %mul3A_70, %add3A_103 : i32
    %add3A_105 = arith.constant 32 : i32
    %add3A_106 = arith.addi %add3A_104, %add3A_105 : i32
    %dma_start3A_107 = arith.constant 0 : i32
    %dma_start3A_108 = tpu.memref_slice %arg4[%add3A_106, %dma_start3A_107] : memref<16384x768xf32, #tpu.memory_space<hbm>> -> memref<32x768xf32, #tpu.memory_space<hbm>>
    %dma_start3A_109 = arith.constant 0 : i32
    %dma_start3A_110 = tpu.memref_slice %arg4[%add3A_106, %dma_start3A_109] : memref<16384x768xf32, #tpu.memory_space<hbm>> -> memref<32x768xf32, #tpu.memory_space<hbm>>
    tpu.enqueue_dma source(%arg5 : memref<32x768xf32, #tpu.memory_space<vmem>>) target(%dma_start3A_110 : memref<32x768xf32, #tpu.memory_space<hbm>>) target_semaphore(%arg9 : memref<!tpu.dma_semaphore, #tpu.memory_space<semaphore_mem>>)
    %dma_wait3A = arith.constant 0 : i32
    %dma_wait3A_111 = tpu.memref_slice %arg2[%mul3A_6, %dma_wait3A] : memref<4096x768xf32, #tpu.memory_space<hbm>> -> memref<64x768xf32, #tpu.memory_space<hbm>>
    %dma_wait3A_112 = arith.constant 0 : i32
    %dma_wait3A_113 = tpu.memref_slice %arg2[%mul3A_6, %dma_wait3A_112] : memref<4096x768xf32, #tpu.memory_space<hbm>> -> memref<64x768xf32, #tpu.memory_space<hbm>>
    tpu.wait_dma2 semaphore(%arg8 : memref<!tpu.dma_semaphore, #tpu.memory_space<semaphore_mem>>) src(%dma_wait3A_113 : memref<64x768xf32, #tpu.memory_space<hbm>>) dst(%arg6 : memref<64x768xf32, #tpu.memory_space<vmem>>)
    %add3A_114 = arith.constant 0 : i32
    %add3A_115 = arith.addi %mul3A_2, %add3A_114 : i32
    %mul3A_116 = arith.constant 256 : i32
    %mul3A_117 = arith.muli %add3A_115, %mul3A_116 : i32
    %add3A_118 = arith.constant 128 : i32
    %add3A_119 = arith.addi %mul3A_117, %add3A_118 : i32
    %dma_start3A_120 = arith.constant 0 : i32
    %dma_start3A_121 = tpu.memref_slice %arg4[%add3A_119, %dma_start3A_120] : memref<16384x768xf32, #tpu.memory_space<hbm>> -> memref<64x768xf32, #tpu.memory_space<hbm>>
    %dma_start3A_122 = arith.constant 0 : i32
    %dma_start3A_123 = tpu.memref_slice %arg4[%add3A_119, %dma_start3A_122] : memref<16384x768xf32, #tpu.memory_space<hbm>> -> memref<64x768xf32, #tpu.memory_space<hbm>>
    tpu.enqueue_dma source(%arg6 : memref<64x768xf32, #tpu.memory_space<vmem>>) target(%dma_start3A_123 : memref<64x768xf32, #tpu.memory_space<hbm>>) target_semaphore(%arg9 : memref<!tpu.dma_semaphore, #tpu.memory_space<semaphore_mem>>)
    %dma_wait3A_124 = arith.constant 0 : i32
    %dma_wait3A_125 = tpu.memref_slice %arg2[%mul3A_13, %dma_wait3A_124] : memref<4096x768xf32, #tpu.memory_space<hbm>> -> memref<64x768xf32, #tpu.memory_space<hbm>>
    %dma_wait3A_126 = arith.constant 0 : i32
    %dma_wait3A_127 = tpu.memref_slice %arg2[%mul3A_13, %dma_wait3A_126] : memref<4096x768xf32, #tpu.memory_space<hbm>> -> memref<64x768xf32, #tpu.memory_space<hbm>>
    tpu.wait_dma2 semaphore(%arg8 : memref<!tpu.dma_semaphore, #tpu.memory_space<semaphore_mem>>) src(%dma_wait3A_127 : memref<64x768xf32, #tpu.memory_space<hbm>>) dst(%arg7 : memref<64x768xf32, #tpu.memory_space<vmem>>)
    %add3A_128 = arith.constant 1 : i32
    %add3A_129 = arith.addi %mul3A_2, %add3A_128 : i32
    %mul3A_130 = arith.constant 256 : i32
    %mul3A_131 = arith.muli %add3A_129, %mul3A_130 : i32
    %add3A_132 = arith.constant 128 : i32
    %add3A_133 = arith.addi %mul3A_131, %add3A_132 : i32
    %dma_start3A_134 = arith.constant 0 : i32
    %dma_start3A_135 = tpu.memref_slice %arg4[%add3A_133, %dma_start3A_134] : memref<16384x768xf32, #tpu.memory_space<hbm>> -> memref<64x768xf32, #tpu.memory_space<hbm>>
    %dma_start3A_136 = arith.constant 0 : i32
    %dma_start3A_137 = tpu.memref_slice %arg4[%add3A_133, %dma_start3A_136] : memref<16384x768xf32, #tpu.memory_space<hbm>> -> memref<64x768xf32, #tpu.memory_space<hbm>>
    tpu.enqueue_dma source(%arg7 : memref<64x768xf32, #tpu.memory_space<vmem>>) target(%dma_start3A_137 : memref<64x768xf32, #tpu.memory_space<hbm>>) target_semaphore(%arg9 : memref<!tpu.dma_semaphore, #tpu.memory_space<semaphore_mem>>)
    %dma_wait3A_138 = arith.constant 0 : i32
    %dma_wait3A_139 = tpu.memref_slice %arg4[%add3A_28, %dma_wait3A_138] : memref<16384x768xf32, #tpu.memory_space<hbm>> -> memref<32x768xf32, #tpu.memory_space<hbm>>
    %dma_wait3A_140 = arith.constant 0 : i32
    %dma_wait3A_141 = tpu.memref_slice %arg4[%add3A_28, %dma_wait3A_140] : memref<16384x768xf32, #tpu.memory_space<hbm>> -> memref<32x768xf32, #tpu.memory_space<hbm>>
    tpu.wait_dma2 semaphore(%arg9 : memref<!tpu.dma_semaphore, #tpu.memory_space<semaphore_mem>>) src(%arg5 : memref<32x768xf32, #tpu.memory_space<vmem>>) dst(%dma_wait3A_141 : memref<32x768xf32, #tpu.memory_space<hbm>>)
    %dma_wait3A_142 = arith.constant 0 : i32
    %dma_wait3A_143 = tpu.memref_slice %arg4[%add3A_34, %dma_wait3A_142] : memref<16384x768xf32, #tpu.memory_space<hbm>> -> memref<32x768xf32, #tpu.memory_space<hbm>>
    %dma_wait3A_144 = arith.constant 0 : i32
    %dma_wait3A_145 = tpu.memref_slice %arg4[%add3A_34, %dma_wait3A_144] : memref<16384x768xf32, #tpu.memory_space<hbm>> -> memref<32x768xf32, #tpu.memory_space<hbm>>
    tpu.wait_dma2 semaphore(%arg9 : memref<!tpu.dma_semaphore, #tpu.memory_space<semaphore_mem>>) src(%arg5 : memref<32x768xf32, #tpu.memory_space<vmem>>) dst(%dma_wait3A_145 : memref<32x768xf32, #tpu.memory_space<hbm>>)
    %dma_wait3A_146 = arith.constant 0 : i32
    %dma_wait3A_147 = tpu.memref_slice %arg4[%add3A_40, %dma_wait3A_146] : memref<16384x768xf32, #tpu.memory_space<hbm>> -> memref<32x768xf32, #tpu.memory_space<hbm>>
    %dma_wait3A_148 = arith.constant 0 : i32
    %dma_wait3A_149 = tpu.memref_slice %arg4[%add3A_40, %dma_wait3A_148] : memref<16384x768xf32, #tpu.memory_space<hbm>> -> memref<32x768xf32, #tpu.memory_space<hbm>>
    tpu.wait_dma2 semaphore(%arg9 : memref<!tpu.dma_semaphore, #tpu.memory_space<semaphore_mem>>) src(%arg5 : memref<32x768xf32, #tpu.memory_space<vmem>>) dst(%dma_wait3A_149 : memref<32x768xf32, #tpu.memory_space<hbm>>)
    %dma_wait3A_150 = arith.constant 0 : i32
    %dma_wait3A_151 = tpu.memref_slice %arg4[%add3A_46, %dma_wait3A_150] : memref<16384x768xf32, #tpu.memory_space<hbm>> -> memref<32x768xf32, #tpu.memory_space<hbm>>
    %dma_wait3A_152 = arith.constant 0 : i32
    %dma_wait3A_153 = tpu.memref_slice %arg4[%add3A_46, %dma_wait3A_152] : memref<16384x768xf32, #tpu.memory_space<hbm>> -> memref<32x768xf32, #tpu.memory_space<hbm>>
    tpu.wait_dma2 semaphore(%arg9 : memref<!tpu.dma_semaphore, #tpu.memory_space<semaphore_mem>>) src(%arg5 : memref<32x768xf32, #tpu.memory_space<vmem>>) dst(%dma_wait3A_153 : memref<32x768xf32, #tpu.memory_space<hbm>>)
    %dma_wait3A_154 = arith.constant 0 : i32
    %dma_wait3A_155 = tpu.memref_slice %arg4[%add3A_54, %dma_wait3A_154] : memref<16384x768xf32, #tpu.memory_space<hbm>> -> memref<32x768xf32, #tpu.memory_space<hbm>>
    %dma_wait3A_156 = arith.constant 0 : i32
    %dma_wait3A_157 = tpu.memref_slice %arg4[%add3A_54, %dma_wait3A_156] : memref<16384x768xf32, #tpu.memory_space<hbm>> -> memref<32x768xf32, #tpu.memory_space<hbm>>
    tpu.wait_dma2 semaphore(%arg9 : memref<!tpu.dma_semaphore, #tpu.memory_space<semaphore_mem>>) src(%arg5 : memref<32x768xf32, #tpu.memory_space<vmem>>) dst(%dma_wait3A_157 : memref<32x768xf32, #tpu.memory_space<hbm>>)
    %dma_wait3A_158 = arith.constant 0 : i32
    %dma_wait3A_159 = tpu.memref_slice %arg4[%add3A_62, %dma_wait3A_158] : memref<16384x768xf32, #tpu.memory_space<hbm>> -> memref<32x768xf32, #tpu.memory_space<hbm>>
    %dma_wait3A_160 = arith.constant 0 : i32
    %dma_wait3A_161 = tpu.memref_slice %arg4[%add3A_62, %dma_wait3A_160] : memref<16384x768xf32, #tpu.memory_space<hbm>> -> memref<32x768xf32, #tpu.memory_space<hbm>>
    tpu.wait_dma2 semaphore(%arg9 : memref<!tpu.dma_semaphore, #tpu.memory_space<semaphore_mem>>) src(%arg5 : memref<32x768xf32, #tpu.memory_space<vmem>>) dst(%dma_wait3A_161 : memref<32x768xf32, #tpu.memory_space<hbm>>)
    %dma_wait3A_162 = arith.constant 0 : i32
    %dma_wait3A_163 = tpu.memref_slice %arg4[%add3A_72, %dma_wait3A_162] : memref<16384x768xf32, #tpu.memory_space<hbm>> -> memref<32x768xf32, #tpu.memory_space<hbm>>
    %dma_wait3A_164 = arith.constant 0 : i32
    %dma_wait3A_165 = tpu.memref_slice %arg4[%add3A_72, %dma_wait3A_164] : memref<16384x768xf32, #tpu.memory_space<hbm>> -> memref<32x768xf32, #tpu.memory_space<hbm>>
    tpu.wait_dma2 semaphore(%arg9 : memref<!tpu.dma_semaphore, #tpu.memory_space<semaphore_mem>>) src(%arg5 : memref<32x768xf32, #tpu.memory_space<vmem>>) dst(%dma_wait3A_165 : memref<32x768xf32, #tpu.memory_space<hbm>>)
    %dma_wait3A_166 = arith.constant 0 : i32
    %dma_wait3A_167 = tpu.memref_slice %arg4[%add3A_78, %dma_wait3A_166] : memref<16384x768xf32, #tpu.memory_space<hbm>> -> memref<32x768xf32, #tpu.memory_space<hbm>>
    %dma_wait3A_168 = arith.constant 0 : i32
    %dma_wait3A_169 = tpu.memref_slice %arg4[%add3A_78, %dma_wait3A_168] : memref<16384x768xf32, #tpu.memory_space<hbm>> -> memref<32x768xf32, #tpu.memory_space<hbm>>
    tpu.wait_dma2 semaphore(%arg9 : memref<!tpu.dma_semaphore, #tpu.memory_space<semaphore_mem>>) src(%arg5 : memref<32x768xf32, #tpu.memory_space<vmem>>) dst(%dma_wait3A_169 : memref<32x768xf32, #tpu.memory_space<hbm>>)
    %dma_wait3A_170 = arith.constant 0 : i32
    %dma_wait3A_171 = tpu.memref_slice %arg4[%add3A_84, %dma_wait3A_170] : memref<16384x768xf32, #tpu.memory_space<hbm>> -> memref<32x768xf32, #tpu.memory_space<hbm>>
    %dma_wait3A_172 = arith.constant 0 : i32
    %dma_wait3A_173 = tpu.memref_slice %arg4[%add3A_84, %dma_wait3A_172] : memref<16384x768xf32, #tpu.memory_space<hbm>> -> memref<32x768xf32, #tpu.memory_space<hbm>>
    tpu.wait_dma2 semaphore(%arg9 : memref<!tpu.dma_semaphore, #tpu.memory_space<semaphore_mem>>) src(%arg5 : memref<32x768xf32, #tpu.memory_space<vmem>>) dst(%dma_wait3A_173 : memref<32x768xf32, #tpu.memory_space<hbm>>)
    %dma_wait3A_174 = arith.constant 0 : i32
    %dma_wait3A_175 = tpu.memref_slice %arg4[%add3A_90, %dma_wait3A_174] : memref<16384x768xf32, #tpu.memory_space<hbm>> -> memref<32x768xf32, #tpu.memory_space<hbm>>
    %dma_wait3A_176 = arith.constant 0 : i32
    %dma_wait3A_177 = tpu.memref_slice %arg4[%add3A_90, %dma_wait3A_176] : memref<16384x768xf32, #tpu.memory_space<hbm>> -> memref<32x768xf32, #tpu.memory_space<hbm>>
    tpu.wait_dma2 semaphore(%arg9 : memref<!tpu.dma_semaphore, #tpu.memory_space<semaphore_mem>>) src(%arg5 : memref<32x768xf32, #tpu.memory_space<vmem>>) dst(%dma_wait3A_177 : memref<32x768xf32, #tpu.memory_space<hbm>>)
    %dma_wait3A_178 = arith.constant 0 : i32
    %dma_wait3A_179 = tpu.memref_slice %arg4[%add3A_98, %dma_wait3A_178] : memref<16384x768xf32, #tpu.memory_space<hbm>> -> memref<32x768xf32, #tpu.memory_space<hbm>>
    %dma_wait3A_180 = arith.constant 0 : i32
    %dma_wait3A_181 = tpu.memref_slice %arg4[%add3A_98, %dma_wait3A_180] : memref<16384x768xf32, #tpu.memory_space<hbm>> -> memref<32x768xf32, #tpu.memory_space<hbm>>
    tpu.wait_dma2 semaphore(%arg9 : memref<!tpu.dma_semaphore, #tpu.memory_space<semaphore_mem>>) src(%arg5 : memref<32x768xf32, #tpu.memory_space<vmem>>) dst(%dma_wait3A_181 : memref<32x768xf32, #tpu.memory_space<hbm>>)
    %dma_wait3A_182 = arith.constant 0 : i32
    %dma_wait3A_183 = tpu.memref_slice %arg4[%add3A_106, %dma_wait3A_182] : memref<16384x768xf32, #tpu.memory_space<hbm>> -> memref<32x768xf32, #tpu.memory_space<hbm>>
    %dma_wait3A_184 = arith.constant 0 : i32
    %dma_wait3A_185 = tpu.memref_slice %arg4[%add3A_106, %dma_wait3A_184] : memref<16384x768xf32, #tpu.memory_space<hbm>> -> memref<32x768xf32, #tpu.memory_space<hbm>>
    tpu.wait_dma2 semaphore(%arg9 : memref<!tpu.dma_semaphore, #tpu.memory_space<semaphore_mem>>) src(%arg5 : memref<32x768xf32, #tpu.memory_space<vmem>>) dst(%dma_wait3A_185 : memref<32x768xf32, #tpu.memory_space<hbm>>)
    %dma_wait3A_186 = arith.constant 0 : i32
    %dma_wait3A_187 = tpu.memref_slice %arg4[%add3A_119, %dma_wait3A_186] : memref<16384x768xf32, #tpu.memory_space<hbm>> -> memref<64x768xf32, #tpu.memory_space<hbm>>
    %dma_wait3A_188 = arith.constant 0 : i32
    %dma_wait3A_189 = tpu.memref_slice %arg4[%add3A_119, %dma_wait3A_188] : memref<16384x768xf32, #tpu.memory_space<hbm>> -> memref<64x768xf32, #tpu.memory_space<hbm>>
    tpu.wait_dma2 semaphore(%arg9 : memref<!tpu.dma_semaphore, #tpu.memory_space<semaphore_mem>>) src(%arg6 : memref<64x768xf32, #tpu.memory_space<vmem>>) dst(%dma_wait3A_189 : memref<64x768xf32, #tpu.memory_space<hbm>>)
    %dma_wait3A_190 = arith.constant 0 : i32
    %dma_wait3A_191 = tpu.memref_slice %arg4[%add3A_133, %dma_wait3A_190] : memref<16384x768xf32, #tpu.memory_space<hbm>> -> memref<64x768xf32, #tpu.memory_space<hbm>>
    %dma_wait3A_192 = arith.constant 0 : i32
    %dma_wait3A_193 = tpu.memref_slice %arg4[%add3A_133, %dma_wait3A_192] : memref<16384x768xf32, #tpu.memory_space<hbm>> -> memref<64x768xf32, #tpu.memory_space<hbm>>
    tpu.wait_dma2 semaphore(%arg9 : memref<!tpu.dma_semaphore, #tpu.memory_space<semaphore_mem>>) src(%arg7 : memref<64x768xf32, #tpu.memory_space<vmem>>) dst(%dma_wait3A_193 : memref<64x768xf32, #tpu.memory_space<hbm>>)
    return
  }
}

</mosaic_0001>

<sc_bundles>
// kernel: kernel.3.cloned.1.call-start
scs
__scs_entry_jumppad:
0x0: {  	(pc) =	sbr.rel $0x88, $3  }
0x1: {  	(tag) =	ssettag $0x0;
	lr =	simm.s32 $0x1  }
0x2: {  	[smem:$0x3F9F] =	sst lr;
	_ =	strace $0xD0000000  }
0x3: {  	_ = 	snop  }
0x4: {  	_ = 	snop  }
0x5: {  	_ = 	snop  }
0x6: {  	_ = 	snop  }
0x7: {  	_ = 	snop  }
__scs_overlays_trampoline_lowered:
0x8: {  	[smem:$0x3FAE] =	sst s0  }
0x9: {  	[smem:$0x3FAF] =	sst s1  }
0xa: {  	[smem:$0x3FB0] =	sst s2  }
0xb: {  	[smem:$0x3FB1] =	sst s3  }
0xc: {  	[smem:$0x3FB2] =	sst s4  }
0xd: {  	[smem:$0x3FB3] =	sst s5  }
0xe: {  	[smem:$0x3FB4] =	sst s6  }
0xf: {  	[smem:$0x3FB5] =	sst s7  }
0x10: {  	[smem:$0x3FB6] =	sst s8  }
0x11: {  	[smem:$0x3FB7] =	sst s9;
	s0 =	simm.s32 @!p0 $0x0  }
0x12: {  	s1 =	sld [smem:$0x3F9D];
	s0 =	simm.s32 @p0 $0x1  }
0x13: {  	[smem:$0x3FB8] =	sst s0;
	s0 =	simm.s32 @!p1 $0x0  }
0x14: {  	s2 =	sld [smem:$0x3F9C];
	s0 =	simm.s32 @p1 $0x1  }
0x15: {  	[smem:$0x3FB9] =	sst s0;
	s0 =	simm.s32 @!p2 $0x0  }
0x16: {  	s3 =	sld [smem:$0x3FDB];
	s0 =	simm.s32 @p2 $0x1  }
0x17: {  	s4 =	simm.s32 $0x1BF5;
	[smem:$0x3FBB] =	sst s0  }
0x18: {  	s0 =	sld [smem:$0x3F9E];
	_ =	swait.ge [sflag:s4], $0x0  }
0x19: {  	s7 =	sld [smem:$0x3F9F]  }
0x1a: {  	s8 =	sadd.s32 $0xFFFFE003, lr  }
0x1b: {  	s9 =	sadd.s32 $0xFFFFFEF7, lr;
	s5 =	simm.s32 $0xFFFFFFFF;
	p2 =	slt.u32 s8, $0xFFFFF086  }
0x1c: {  	p1 =	slt.u32 s9, $0xF7A;
	s5 =	simm.s32 @!p2 $0x0  }
0x1d: {  	s5 =	simm.s32 @p1 $0x1;
	p0 =	seq.s32 s7, s2  }
0x1e: {  	s7 =	smul.u32 @!p0 $0xF7A, s2;
	p2 =	seq.s32 @!p0 s5, $0x0  }
0x1f: {  	s9 =	smul.u32 $0xF7A, s1;
	s8 =	simm.s32 @!p0 $0x1BF5;
	p2 =	por !p2, p0  }
0x20: {  	[sflag:s8] =	ssyncset.s32 @!p0 $0xFFFFF086;
	s6 =	sadd.s32 @!p0 s3, s7;
	s7 =	simm.s32 @!p0 $0x108  }
0x21: {  	s3 =	sadd.s32 s3, s9;
	s6 =	sadd.s32 @!p0 $0x88, s6;
	s7 =	simm.s32 @p2 $0x1082  }
0x22: {  	[simem:s7], [sflag:s8] =	dma.local @!p0 [hbm:s6], $0xF7A  }
0x23: {  	s9 =	sor.u32 $0xD0000000, s2;
	s6 =	simm.s32 $0x108;
	_ =	swait.ge @!p0 [sflag:s8], $0x0  }
0x24: {  	s3 =	sadd.s32 $0x88, s3;
	s6 =	simm.s32 @!p1 $0x1082;
	[sflag:s4] =	ssyncset.s32 $0xFFFFF086  }
0x25: {  	[simem:s6], [sflag:s4] =	dma.local [hbm:s3], $0xF7A  }
0x26: {  	[smem:$0x3F9F] =	sst s1;
	(tag) =	ssettag s2;
	_ =	strace s9  }
0x27: {  	s1 =	sld [smem:$0x3FAF]  }
0x28: {  	s2 =	sld [smem:$0x3FB0]  }
0x29: {  	s4 =	sld [smem:$0x3FB2]  }
0x2a: {  	p0 =	seq.s32 s5, $0x0;
	s5 =	sld [smem:$0x3FB3]  }
0x2b: {  	s6 =	sld [smem:$0x3FB4]  }
0x2c: {  	s7 =	sld [smem:$0x3FB5]  }
0x2d: {  	s3 =	simm.s32 $0x108;
	s8 =	sld [smem:$0x3FB6]  }
0x2e: {  	s3 =	simm.s32 @!p0 $0x1082;
	s9 =	sld [smem:$0x3FB7]  }
0x2f: {  	lr =	sadd.s32 s0, s3;
	s0 =	sld [smem:$0x3FAE]  }
0x30: {  	s3 =	sld [smem:$0x3FB1]  }
0x31: {  	[smem:$0x3FBA] =	sst s10  }
0x32: {  	s10 =	sld [smem:$0x3FB8];
	_ =	sdelay $0x3  }
0x33: {  	p0 =	seq.s32 s10, $0x1;
	s10 =	sld [smem:$0x3FBA];
	_ =	sdelay $0x3  }
0x34: {  	[smem:$0x3FBA] =	sst s10  }
0x35: {  	s10 =	sld [smem:$0x3FB9];
	_ =	sdelay $0x3  }
0x36: {  	p1 =	seq.s32 s10, $0x1;
	s10 =	sld [smem:$0x3FBA];
	_ =	sdelay $0x3  }
0x37: {  	[smem:$0x3FBA] =	sst s10  }
0x38: {  	s10 =	sld [smem:$0x3FBB]  }
0x39: {  	_ = 	snop;
	(pc) =	sbr.ind lr, $3  }
0x3a: {  	_ = 	snop  }
0x3b: {  	_ = 	snop  }
0x3c: {  	p2 =	seq.s32 s10, $0x1;
	s10 =	sld [smem:$0x3FBA]  }
0x3d: {  	_ =	shalt  }
0x3e: {  	_ =	shalt  }
0x3f: {  	_ =	shalt  }
0x40: {  	_ =	shalt  }
0x41: {  	_ =	shalt  }
0x42: {  	_ =	shalt  }
0x43: {  	_ =	shalt  }
0x44: {  	_ =	shalt  }
0x45: {  	_ =	shalt  }
0x46: {  	_ =	shalt  }
0x47: {  	_ =	shalt  }
0x48: {  	_ =	shalt  }
0x49: {  	_ =	shalt  }
0x4a: {  	_ =	shalt  }
0x4b: {  	_ =	shalt  }
0x4c: {  	_ =	shalt  }
0x4d: {  	_ =	shalt  }
0x4e: {  	_ =	shalt  }
0x4f: {  	_ =	shalt  }
0x50: {  	_ =	shalt  }
0x51: {  	_ =	shalt  }
0x52: {  	_ =	shalt  }
0x53: {  	_ =	shalt  }
0x54: {  	_ =	shalt  }
0x55: {  	_ =	shalt  }
0x56: {  	_ =	shalt  }
0x57: {  	_ =	shalt  }
0x58: {  	_ =	shalt  }
0x59: {  	_ =	shalt  }
0x5a: {  	_ =	shalt  }
0x5b: {  	_ =	shalt  }
0x5c: {  	_ =	shalt  }
0x5d: {  	_ =	shalt  }
0x5e: {  	_ =	shalt  }
0x5f: {  	_ =	shalt  }
0x60: {  	_ =	shalt  }
0x61: {  	_ =	shalt  }
0x62: {  	_ =	shalt  }
0x63: {  	_ =	shalt  }
0x64: {  	_ =	shalt  }
0x65: {  	_ =	shalt  }
0x66: {  	_ =	shalt  }
0x67: {  	_ =	shalt  }
0x68: {  	_ =	shalt  }
0x69: {  	_ =	shalt  }
0x6a: {  	_ =	shalt  }
0x6b: {  	_ =	shalt  }
0x6c: {  	_ =	shalt  }
0x6d: {  	_ =	shalt  }
0x6e: {  	_ =	shalt  }
0x6f: {  	_ =	shalt  }
0x70: {  	_ =	shalt  }
0x71: {  	_ =	shalt  }
0x72: {  	_ =	shalt  }
0x73: {  	_ =	shalt  }
0x74: {  	_ =	shalt  }
0x75: {  	_ =	shalt  }
0x76: {  	_ =	shalt  }
0x77: {  	_ =	shalt  }
0x78: {  	_ =	shalt  }
0x79: {  	_ =	shalt  }
0x7a: {  	_ =	shalt  }
0x7b: {  	_ =	shalt  }
0x7c: {  	_ =	shalt  }
0x7d: {  	_ =	shalt  }
0x7e: {  	_ =	shalt  }
0x7f: {  	_ =	shalt  }
0x80: {  	_ =	shalt  }
0x81: {  	_ =	shalt  }
0x82: {  	_ =	shalt  }
0x83: {  	_ =	shalt  }
0x84: {  	_ =	shalt  }
0x85: {  	_ =	shalt  }
0x86: {  	_ =	shalt  }
0x87: {  	_ =	shalt  }
.Lfunc_end0:
.L_simem_size_0:
called_computation_lowered:
.L_overlay_start_0:
0x88: {  	s2 =	sld [smem:$0x3FD9]  }
0x89: {  	s3 =	sld [smem:$0x3FFE];
	_ =	sdelay $0x1  }
0x8a: {  	s1 =	srdreg.scid  }
0x8b: {  	s0 =	sand.u32 $0x1, s1  }
0x8c: {  	s17 =	sshll.u32 s0, $0xA;
	s2 =	sadd.s32 s3, s2  }
0x8d: {  	s2 =	sadd.s32 s2, s17  }
0x8e: {  	[smem:$0x3FC6] =	sst s2  }
0x8f: {  	_ = 	snop  }
0x90: {  	s2 =	sld [smem:$0x3FC9]  }
0x91: {  	s18 =	sld [smem:$0x3FD0];
	(tm) =	ssettm $0x1  }
0x92: {  	s4 =	sld [smem:$0x3FFB];
	_ =	sdelay $0x3  }
0x93: {  	_ =	strace s4  }
0x94: {  	s4 =	sld [smem:$0x3FFC];
	_ =	sdelay $0x3  }
0x95: {  	_ =	strace s4  }
0x96: {  	s4 =	sld [smem:$0x3FFD];
	_ =	sdelay $0x3  }
0x97: {  	_ =	strace s4  }
0x98: {  	_ =	strace $0x8FFFFFFF  }
0x99: {  	s19 =	sld [smem:$0x3FDB];
	_ =	sdelay $0x1  }
0x9a: {  	s5 =	simm.s32 $_scs_section_size  }
0x9b: {  	s6 =	simm.s32 $_size__tile_overlayer_lowered;
	s7 =	simm.s32 $_tile_overlayer_lowered  }
0x9c: {  	s22 =	simm.s32 $0x1BFF;
	s21 =	sshll.u32 s7, $0x1;
	s4 =	sadd.s32 s5, s19  }
0x9d: {  	s8 =	simm.s32 $0x0;
	s20 =	sshll.u32 s6, $0x1;
	s6 =	sadd.s32 s21, s4  }
0x9e: {  	[timem:s8], [sflag:s22] =	dma.local [hbm:s6], s20  }
0x9f: {  	_ =	swait.ge [sflag:s22], s20  }
0xa0: {  	s5 =	ssub.s32 $0x0, s20;
	[sflag:s22] =	ssyncset.done $0x0  }
0xa1: {  	[sflag:s22] =	ssyncadd.s32 s5;
	_ =	sdelay $0x1  }
0xa2: {  	s23 =	simm.s32 $0x1B8B  }
0xa3: {  	_ =	swait.ge [sflag:s23], $0x1  }
0xa4: {  	[sflag:s23] =	ssyncset.done $0x0  }
0xa5: {  	s25 =	simm.s32 $0x1B8E;
	s24 =	sld [smem:$0x3FFE];
	[sflag:s23] =	ssyncadd.s32 $0xFFFFFFFF  }
0xa6: {  	s26 =	simm.s32 $execute0_lowered;
	[smem:$0x3FD2] =	sst s25  }
0xa7: {  	s6 =	sshll.u32 s26, $0x1;
	_ =	strace $0x80000046;
	[dreg:$0x1] =	wrdreg $0xFFFFFFFF  }
0xa8: {  	s28 =	simm.s32 $_size_execute0_lowered;
	s4 =	sadd.s32 s4, s6;
	[dreg:$0x0] =	wrdreg $0x0  }
0xa9: {  	s6 =	sshll.u32 s28, $0x1;
	[dreg:$0x2] =	wrdreg s4  }
0xaa: {  	[dreg:$0x3] =	wrdreg s6  }
0xab: {  	[dreg:$0x4] =	wrdreg $0xC0  }
0xac: {  	_ =	task [dreg:s8], $0x5FFFF  }
0xad: {  	[dreg:$0x1] =	wrdreg $0xFFFFFFFF  }
0xae: {  	[dreg:$0x0] =	wrdreg $0x60  }
0xaf: {  	[dreg:$0x2] =	wrdreg s2  }
0xb0: {  	[dreg:$0x3] =	wrdreg s24  }
0xb1: {  	[dreg:$0x4] =	wrdreg s18  }
0xb2: {  	[dreg:$0x5] =	wrdreg $0x9  }
0xb3: {  	_ =	task.clear_ibuf [dreg:s8], $0x6FFFF;
	_ =	strace $0x90000046  }
0xb4: {  	s29 =	simm.s32 $0x9;
	_ =	strace $0x80000048  }
0xb5: {  	_ =	swait.ge [sflag:s29], $0x1  }
0xb6: {  	[sflag:s29] =	ssyncadd.s32 $0xFFFFFFFF  }
0xb7: {  	_ =	strace $0x90000048  }
0xb8: {  	_ =	sfence  }
0xb9: {  	s30 =	sld [smem:$0x0];
	_ =	sdelay $0x2  }
0xba: {  	s31 =	sshll.u32 s1, $0xD;
	s1 =	sshrl.u32 s1, $0x2  }
0xbb: {  	s3 =	sand.u32 $0x4000, s31;
	s1 =	sadd.s32 s1, s30  }
0xbc: {  	s0 =	sor.u32 s3, s0;
	s1 =	sshll.u32 s1, $0x11  }
0xbd: {  	s0 =	sor.u32 s1, s0  }
0xbe: {  	s0 =	sadd.s32 $0x8F2B, s0  }
0xbf: {  	[sflag:s0] =	ssyncadd.remote.s32 $0x1  }
0xc0: {  	_ =	sfence.sel $0xFFFF  }
0xc1: {  	[dreg:$0x0] =	wrdreg $0xFFFFFFFF;
	(pc) =	sbr.abs _section_cstart, $3  }
0xc2: {  	[dreg:$0x1] =	wrdreg $0xFFFFFFFF  }
0xc3: {  	_ =	task.clear_ibuf [dreg:s8], $0x2FFFF;
	_ =	strace $0x9FFFFFFF  }
0xc4: {  	(tm) =	ssettm $0x7FFFFFFF  }
0xc5: {  	_ =	shalt  }
tec
execute0_lowered:
.L_overlay_start_1:
0x0: {  	(tag) =	ssettag $0x1  }
0x1: {  	s0 =	rddreg [dreg:$0x0]  }
0x2: {  	s25 =	rddreg [dreg:$0x1]  }
0x3: {  	s1 =	rddreg [dreg:$0x2];
	s2 =	srdreg.scid  }
0x4: {  	s4 =	stileid.u32;
	s3 =	simm.s32 $0x0;
	s28 =	simm.s32 $0x12000  }
0x5: {  	s29 =	simm.s32 $0x3;
	s2 =	sand.u32 $0x1, s2;
	s4 =	sshll.u32 s4, $0x1  }
0x6: {  	s30 =	simm.s32 $0x1;
	s31 =	simm.s32 $0x2;
	s4 =	sor.u32 s2, s4  }
0x7: {  	[smem:$0x7FF] =	sst s3;
	s23 =	sadd.s32 $0xC00, s1;
	s5 =	smul.u32 $0x3000, s4  }
0x8: {  	s14 =	sadd.s32 $0x1800, s1;
	s21 =	sadd.s32 $0x10, s25;
	s18 =	smul.u32 $0xC000, s4  }
0x9: {  	s2 =	ssub.s32 $0x2, s2;
	s10 =	sshllo.u32 s4, $0x1;
	s4 =	smul.u32 $0x60000, s4  }
0xa: {  	s22 =	sadd.s32 $0x20, s25;
	s6 =	sshrl.u32 s2, $0x1;
	s7 =	smul.u32 $0x1800, s10  }
0xb: {  	_ =	strace $0x80000047;
	s2 =	ssub.s32 s2, s6;
	s12 =	smul.u32 $0x30000, s10  }
0xc: {  	s15 =	smul.u32 $0x6000, s10;
	s5 =	sadd.s32 s0, s5;
	s6 =	sadd.s32 s1, s18  }
0xd: {  	s8 =	sadd.s32 s18, s14;
	s4 =	sshrl.u32 s4, $0x3;
	s20 =	smax.u32 s2, $0x1  }
0xe: {  	[dreg:$0x4] =	wrdreg s5;
	s0 =	sadd.s32 s0, s7;
	s7 =	sadd.s32 s18, s23  }
0xf: {  	s9 =	sadd.s32 $0x2400, s6;
	s4 =	sadd.s32 s1, s4;
	s24 =	sshrl.u32 s12, $0x3  }
0x10: {  	s12 =	sadd.s32 s1, s15;
	s13 =	sadd.s32 s15, s23;
	s14 =	sadd.s32 s15, s14  }
0x11: {  	s23 =	sadd.s32 $0x30, s25;
	[dreg:$0x5] =	wrdreg s0;
	s10 =	sadd.s32 $0x4800, s4  }
0x12: {  	s11 =	sadd.s32 $0x5400, s4;
	s26 =	sadd.s32 s1, s24;
	s1 =	sadd.s32 $0x3000, s1  }
0x13: {  	s0 =	simm.s32 $0x0;
	s15 =	sadd.s32 $0x2400, s26;
	s16 =	sadd.s32 $0x4800, s26  }
0x14: {  	s17 =	sadd.s32 $0x5400, s26;
	s18 =	sadd.s32 s18, s1;
	s19 =	sadd.s32 s24, s1  }
0x15: {  	s24 =	sadd.s32 $0x40, s25;
	s25 =	sadd.s32 $0x50, s25;
	s26 =	simm.s32 $0x6000  }
.LBB2_1:
0x16: {  	s1 =	rddreg [dreg:$0x4]  }
0x17: {  	[tilespmem:s26], [sflag:$0x1] =	stream.linear.gather [hbm4b:s1+s3], $0xC000, $0x38;
	[tilespmem:$0x1E000] =	vst v63  }
0x18: {  	s4 =	rddreg [dreg:$0x5]  }
0x19: {  	[tilespmem:s28], [sflag:$0x1] =	stream.linear.gather [hbm4b:s4+s3], $0xC000, $0x38;
	[tilespmem:$0x1E000] =	vst v63  }
0x1a: {  	s5 =	rddreg [dreg:$0x1]  }
0x1b: {  	[tilespmem:s3], [sflag:$0x3] =	stream.linear.gather [hbm4b:s5+s3], $0x80, $0x38;
	[tilespmem:$0x1E000] =	vst v63  }
0x1c: {  	s2 =	simm.s32 $0x400  }
0x1d: {  	[tilespmem:s2], [sflag:$0x3] =	stream.linear.gather [hbm4b:s21+s3], $0x80, $0x38;
	[tilespmem:$0x1E000] =	vst v63  }
0x1e: {  	s4 =	simm.s32 $0x800  }
0x1f: {  	[tilespmem:s4], [sflag:$0x3] =	stream.linear.gather [hbm4b:s22+s3], $0x80, $0x38;
	[tilespmem:$0x1E000] =	vst v63  }
0x20: {  	s5 =	simm.s32 $0xC00  }
0x21: {  	[tilespmem:s5], [sflag:$0x3] =	stream.linear.gather [hbm4b:s23+s3], $0x80, $0x38;
	[tilespmem:$0x1E000] =	vst v63  }
0x22: {  	s2 =	simm.s32 $0x1000  }
0x23: {  	[tilespmem:s2], [sflag:$0x3] =	stream.linear.gather [hbm4b:s24+s3], $0x80, $0x38;
	[tilespmem:$0x1E000] =	vst v63  }
0x24: {  	s4 =	simm.s32 $0x1400  }
0x25: {  	[tilespmem:s4], [sflag:$0x3] =	stream.linear.gather [hbm4b:s25+s3], $0x80, $0x38;
	[tilespmem:$0x1E000] =	vst v63  }
0x26: {  	_ =	swait.ge [sflag:s29], $0x300  }
0x27: {  	[sflag:s29] =	ssyncset.done $0x0  }
0x28: {  	[sflag:s29] =	ssyncadd.s32 $0xFFFFFD00  }
0x29: {  	s5 =	simm.s32 $0x0;
	v0 =	vld [tilespmem:$0x0]  }
0x2a: {  	s2 =	smul.u32 $0x6000, s5  }
0x2b: {  	s1 =	simm.s32 $0x80  }
0x2c: {  	s4 =	sand.u32 $0x380, s1;
	s2 =	sshra.s32 s2, $0x2  }
0x2d: {  	s2 =	sor.u32 s4, s2  }
0x2e: {  	[tilespmem:s2+$0x0] =	vst v0  }
0x2f: {  	v0 =	vld [tilespmem:$0x10];
	_ =	sdelay $0x4  }
0x30: {  	[tilespmem:s2+$0x10] =	vst v0  }
0x31: {  	v0 =	vld [tilespmem:$0x20];
	_ =	sdelay $0x4  }
0x32: {  	[tilespmem:s2+$0x20] =	vst v0  }
0x33: {  	v0 =	vld [tilespmem:$0x30];
	_ =	sdelay $0x4  }
0x34: {  	[tilespmem:s2+$0x30] =	vst v0  }
0x35: {  	v0 =	vld [tilespmem:$0x40];
	_ =	sdelay $0x4  }
0x36: {  	[tilespmem:s2+$0x40] =	vst v0  }
0x37: {  	v0 =	vld [tilespmem:$0x50];
	_ =	sdelay $0x4  }
0x38: {  	[tilespmem:s2+$0x50] =	vst v0  }
0x39: {  	v0 =	vld [tilespmem:$0x60];
	_ =	sdelay $0x4  }
0x3a: {  	[tilespmem:s2+$0x60] =	vst v0  }
0x3b: {  	v0 =	vld [tilespmem:$0x70];
	_ =	sdelay $0x4  }
0x3c: {  	[tilespmem:s2+$0x70] =	vst v0  }
0x3d: {  	v0 =	vld [tilespmem:$0x400];
	_ =	sdelay $0x4  }
0x3e: {  	[tilespmem:s2+$0x400] =	vst v0  }
0x3f: {  	v0 =	vld [tilespmem:$0x410];
	_ =	sdelay $0x4  }
0x40: {  	[tilespmem:s2+$0x410] =	vst v0  }
0x41: {  	v0 =	vld [tilespmem:$0x420];
	_ =	sdelay $0x4  }
0x42: {  	[tilespmem:s2+$0x420] =	vst v0  }
0x43: {  	v0 =	vld [tilespmem:$0x430];
	_ =	sdelay $0x4  }
0x44: {  	[tilespmem:s2+$0x430] =	vst v0  }
0x45: {  	v0 =	vld [tilespmem:$0x440];
	_ =	sdelay $0x4  }
0x46: {  	[tilespmem:s2+$0x440] =	vst v0  }
0x47: {  	v0 =	vld [tilespmem:$0x450];
	_ =	sdelay $0x4  }
0x48: {  	[tilespmem:s2+$0x450] =	vst v0  }
0x49: {  	v0 =	vld [tilespmem:$0x460];
	_ =	sdelay $0x4  }
0x4a: {  	[tilespmem:s2+$0x460] =	vst v0  }
0x4b: {  	v0 =	vld [tilespmem:$0x470];
	_ =	sdelay $0x4  }
0x4c: {  	[tilespmem:s2+$0x470] =	vst v0  }
0x4d: {  	v0 =	vld [tilespmem:$0x800];
	_ =	sdelay $0x4  }
0x4e: {  	[tilespmem:s2+$0x800] =	vst v0  }
0x4f: {  	v0 =	vld [tilespmem:$0x810];
	_ =	sdelay $0x4  }
0x50: {  	[tilespmem:s2+$0x810] =	vst v0  }
0x51: {  	v0 =	vld [tilespmem:$0x820];
	_ =	sdelay $0x4  }
0x52: {  	[tilespmem:s2+$0x820] =	vst v0  }
0x53: {  	v0 =	vld [tilespmem:$0x830];
	_ =	sdelay $0x4  }
0x54: {  	[tilespmem:s2+$0x830] =	vst v0  }
0x55: {  	v0 =	vld [tilespmem:$0x840];
	_ =	sdelay $0x4  }
0x56: {  	[tilespmem:s2+$0x840] =	vst v0  }
0x57: {  	v0 =	vld [tilespmem:$0x850];
	_ =	sdelay $0x4  }
0x58: {  	[tilespmem:s2+$0x850] =	vst v0  }
0x59: {  	v0 =	vld [tilespmem:$0x860];
	_ =	sdelay $0x4  }
0x5a: {  	[tilespmem:s2+$0x860] =	vst v0  }
0x5b: {  	v0 =	vld [tilespmem:$0x870];
	_ =	sdelay $0x4  }
0x5c: {  	[tilespmem:s2+$0x870] =	vst v0  }
0x5d: {  	v0 =	vld [tilespmem:$0xC00];
	_ =	sdelay $0x4  }
0x5e: {  	[tilespmem:s2+$0xC00] =	vst v0  }
0x5f: {  	v0 =	vld [tilespmem:$0xC10];
	_ =	sdelay $0x4  }
0x60: {  	[tilespmem:s2+$0xC10] =	vst v0  }
0x61: {  	v0 =	vld [tilespmem:$0xC20];
	_ =	sdelay $0x4  }
0x62: {  	[tilespmem:s2+$0xC20] =	vst v0  }
0x63: {  	v0 =	vld [tilespmem:$0xC30];
	_ =	sdelay $0x4  }
0x64: {  	[tilespmem:s2+$0xC30] =	vst v0  }
0x65: {  	v0 =	vld [tilespmem:$0xC40];
	_ =	sdelay $0x4  }
0x66: {  	[tilespmem:s2+$0xC40] =	vst v0  }
0x67: {  	v0 =	vld [tilespmem:$0xC50];
	_ =	sdelay $0x4  }
0x68: {  	[tilespmem:s2+$0xC50] =	vst v0  }
0x69: {  	v0 =	vld [tilespmem:$0xC60];
	_ =	sdelay $0x4  }
0x6a: {  	[tilespmem:s2+$0xC60] =	vst v0  }
0x6b: {  	v0 =	vld [tilespmem:$0xC70];
	_ =	sdelay $0x4  }
0x6c: {  	[tilespmem:s2+$0xC70] =	vst v0  }
0x6d: {  	v0 =	vld [tilespmem:$0x1000];
	_ =	sdelay $0x4  }
0x6e: {  	[tilespmem:s2+$0x1000] =	vst v0  }
0x6f: {  	v0 =	vld [tilespmem:$0x1010];
	_ =	sdelay $0x4  }
0x70: {  	[tilespmem:s2+$0x1010] =	vst v0  }
0x71: {  	v0 =	vld [tilespmem:$0x1020];
	_ =	sdelay $0x4  }
0x72: {  	[tilespmem:s2+$0x1020] =	vst v0  }
0x73: {  	v0 =	vld [tilespmem:$0x1030];
	_ =	sdelay $0x4  }
0x74: {  	[tilespmem:s2+$0x1030] =	vst v0  }
0x75: {  	v0 =	vld [tilespmem:$0x1040];
	_ =	sdelay $0x4  }
0x76: {  	[tilespmem:s2+$0x1040] =	vst v0  }
0x77: {  	v0 =	vld [tilespmem:$0x1050];
	_ =	sdelay $0x4  }
0x78: {  	[tilespmem:s2+$0x1050] =	vst v0  }
0x79: {  	v0 =	vld [tilespmem:$0x1060];
	_ =	sdelay $0x4  }
0x7a: {  	[tilespmem:s2+$0x1060] =	vst v0  }
0x7b: {  	v0 =	vld [tilespmem:$0x1070];
	_ =	sdelay $0x4  }
0x7c: {  	[tilespmem:s2+$0x1070] =	vst v0  }
0x7d: {  	v0 =	vld [tilespmem:$0x1400];
	_ =	sdelay $0x4  }
0x7e: {  	[tilespmem:s2+$0x1400] =	vst v0  }
0x7f: {  	v0 =	vld [tilespmem:$0x1410];
	_ =	sdelay $0x4  }
0x80: {  	[tilespmem:s2+$0x1410] =	vst v0  }
0x81: {  	v0 =	vld [tilespmem:$0x1420];
	_ =	sdelay $0x4  }
0x82: {  	[tilespmem:s2+$0x1420] =	vst v0  }
0x83: {  	v0 =	vld [tilespmem:$0x1430];
	_ =	sdelay $0x4  }
0x84: {  	[tilespmem:s2+$0x1430] =	vst v0  }
0x85: {  	v0 =	vld [tilespmem:$0x1440];
	_ =	sdelay $0x4  }
0x86: {  	[tilespmem:s2+$0x1440] =	vst v0  }
0x87: {  	v0 =	vld [tilespmem:$0x1450];
	_ =	sdelay $0x4  }
0x88: {  	[tilespmem:s2+$0x1450] =	vst v0  }
0x89: {  	v0 =	vld [tilespmem:$0x1460];
	_ =	sdelay $0x4  }
0x8a: {  	[tilespmem:s2+$0x1460] =	vst v0  }
0x8b: {  	v0 =	vld [tilespmem:$0x1470];
	_ =	sdelay $0x4  }
0x8c: {  	[tilespmem:s2+$0x1470] =	vst v0  }
0x8d: {  	s4 =	simm.s32 $0x0;
	s2 =	simm.s32 $0x3;
	v0 =	vld [tilespmem:$0x0]  }
.LBB2_2:
0x8e: {  	p0 =	sne.s32 s2, $0x1F;
	s4 =	smul.u32 $0x6000, s4  }
0x8f: {  	s1 =	sadd.s32 $0x80, s1  }
0x90: {  	s5 =	sand.u32 $0x380, s1;
	s4 =	sshra.s32 s4, $0x2  }
0x91: {  	s4 =	sor.u32 s5, s4  }
0x92: {  	[tilespmem:s4+$0x0] =	vst v0  }
0x93: {  	v0 =	vld [tilespmem:$0x10];
	_ =	sdelay $0x4  }
0x94: {  	[tilespmem:s4+$0x10] =	vst v0  }
0x95: {  	v0 =	vld [tilespmem:$0x20];
	_ =	sdelay $0x4  }
0x96: {  	[tilespmem:s4+$0x20] =	vst v0  }
0x97: {  	v0 =	vld [tilespmem:$0x30];
	_ =	sdelay $0x4  }
0x98: {  	[tilespmem:s4+$0x30] =	vst v0  }
0x99: {  	v0 =	vld [tilespmem:$0x40];
	_ =	sdelay $0x4  }
0x9a: {  	[tilespmem:s4+$0x40] =	vst v0  }
0x9b: {  	v0 =	vld [tilespmem:$0x50];
	_ =	sdelay $0x4  }
0x9c: {  	[tilespmem:s4+$0x50] =	vst v0  }
0x9d: {  	v0 =	vld [tilespmem:$0x60];
	_ =	sdelay $0x4  }
0x9e: {  	[tilespmem:s4+$0x60] =	vst v0  }
0x9f: {  	v0 =	vld [tilespmem:$0x70];
	_ =	sdelay $0x4  }
0xa0: {  	[tilespmem:s4+$0x70] =	vst v0  }
0xa1: {  	v0 =	vld [tilespmem:$0x400];
	_ =	sdelay $0x4  }
0xa2: {  	[tilespmem:s4+$0x400] =	vst v0  }
0xa3: {  	v0 =	vld [tilespmem:$0x410];
	_ =	sdelay $0x4  }
0xa4: {  	[tilespmem:s4+$0x410] =	vst v0  }
0xa5: {  	v0 =	vld [tilespmem:$0x420];
	_ =	sdelay $0x4  }
0xa6: {  	[tilespmem:s4+$0x420] =	vst v0  }
0xa7: {  	v0 =	vld [tilespmem:$0x430];
	_ =	sdelay $0x4  }
0xa8: {  	[tilespmem:s4+$0x430] =	vst v0  }
0xa9: {  	v0 =	vld [tilespmem:$0x440];
	_ =	sdelay $0x4  }
0xaa: {  	[tilespmem:s4+$0x440] =	vst v0  }
0xab: {  	v0 =	vld [tilespmem:$0x450];
	_ =	sdelay $0x4  }
0xac: {  	[tilespmem:s4+$0x450] =	vst v0  }
0xad: {  	v0 =	vld [tilespmem:$0x460];
	_ =	sdelay $0x4  }
0xae: {  	[tilespmem:s4+$0x460] =	vst v0  }
0xaf: {  	v0 =	vld [tilespmem:$0x470];
	_ =	sdelay $0x4  }
0xb0: {  	[tilespmem:s4+$0x470] =	vst v0  }
0xb1: {  	v0 =	vld [tilespmem:$0x800];
	_ =	sdelay $0x4  }
0xb2: {  	[tilespmem:s4+$0x800] =	vst v0  }
0xb3: {  	v0 =	vld [tilespmem:$0x810];
	_ =	sdelay $0x4  }
0xb4: {  	[tilespmem:s4+$0x810] =	vst v0  }
0xb5: {  	v0 =	vld [tilespmem:$0x820];
	_ =	sdelay $0x4  }
0xb6: {  	[tilespmem:s4+$0x820] =	vst v0  }
0xb7: {  	v0 =	vld [tilespmem:$0x830];
	_ =	sdelay $0x4  }
0xb8: {  	[tilespmem:s4+$0x830] =	vst v0  }
0xb9: {  	v0 =	vld [tilespmem:$0x840];
	_ =	sdelay $0x4  }
0xba: {  	[tilespmem:s4+$0x840] =	vst v0  }
0xbb: {  	v0 =	vld [tilespmem:$0x850];
	_ =	sdelay $0x4  }
0xbc: {  	[tilespmem:s4+$0x850] =	vst v0  }
0xbd: {  	v0 =	vld [tilespmem:$0x860];
	_ =	sdelay $0x4  }
0xbe: {  	[tilespmem:s4+$0x860] =	vst v0  }
0xbf: {  	v0 =	vld [tilespmem:$0x870];
	_ =	sdelay $0x4  }
0xc0: {  	[tilespmem:s4+$0x870] =	vst v0  }
0xc1: {  	v0 =	vld [tilespmem:$0xC00];
	_ =	sdelay $0x4  }
0xc2: {  	[tilespmem:s4+$0xC00] =	vst v0  }
0xc3: {  	v0 =	vld [tilespmem:$0xC10];
	_ =	sdelay $0x4  }
0xc4: {  	[tilespmem:s4+$0xC10] =	vst v0  }
0xc5: {  	v0 =	vld [tilespmem:$0xC20];
	_ =	sdelay $0x4  }
0xc6: {  	[tilespmem:s4+$0xC20] =	vst v0  }
0xc7: {  	v0 =	vld [tilespmem:$0xC30];
	_ =	sdelay $0x4  }
0xc8: {  	[tilespmem:s4+$0xC30] =	vst v0  }
0xc9: {  	v0 =	vld [tilespmem:$0xC40];
	_ =	sdelay $0x4  }
0xca: {  	[tilespmem:s4+$0xC40] =	vst v0  }
0xcb: {  	v0 =	vld [tilespmem:$0xC50];
	_ =	sdelay $0x4  }
0xcc: {  	[tilespmem:s4+$0xC50] =	vst v0  }
0xcd: {  	v0 =	vld [tilespmem:$0xC60];
	_ =	sdelay $0x4  }
0xce: {  	[tilespmem:s4+$0xC60] =	vst v0  }
0xcf: {  	v0 =	vld [tilespmem:$0xC70];
	_ =	sdelay $0x4  }
0xd0: {  	[tilespmem:s4+$0xC70] =	vst v0  }
0xd1: {  	v0 =	vld [tilespmem:$0x1000];
	_ =	sdelay $0x4  }
0xd2: {  	[tilespmem:s4+$0x1000] =	vst v0  }
0xd3: {  	v0 =	vld [tilespmem:$0x1010];
	_ =	sdelay $0x4  }
0xd4: {  	[tilespmem:s4+$0x1010] =	vst v0  }
0xd5: {  	v0 =	vld [tilespmem:$0x1020];
	_ =	sdelay $0x4  }
0xd6: {  	[tilespmem:s4+$0x1020] =	vst v0  }
0xd7: {  	v0 =	vld [tilespmem:$0x1030];
	_ =	sdelay $0x4  }
0xd8: {  	[tilespmem:s4+$0x1030] =	vst v0  }
0xd9: {  	v0 =	vld [tilespmem:$0x1040];
	_ =	sdelay $0x4  }
0xda: {  	[tilespmem:s4+$0x1040] =	vst v0  }
0xdb: {  	v0 =	vld [tilespmem:$0x1050];
	_ =	sdelay $0x4  }
0xdc: {  	[tilespmem:s4+$0x1050] =	vst v0  }
0xdd: {  	v0 =	vld [tilespmem:$0x1060];
	_ =	sdelay $0x4  }
0xde: {  	[tilespmem:s4+$0x1060] =	vst v0  }
0xdf: {  	v0 =	vld [tilespmem:$0x1070];
	_ =	sdelay $0x4  }
0xe0: {  	[tilespmem:s4+$0x1070] =	vst v0  }
0xe1: {  	v0 =	vld [tilespmem:$0x1400];
	_ =	sdelay $0x4  }
0xe2: {  	[tilespmem:s4+$0x1400] =	vst v0  }
0xe3: {  	v0 =	vld [tilespmem:$0x1410];
	_ =	sdelay $0x4  }
0xe4: {  	[tilespmem:s4+$0x1410] =	vst v0  }
0xe5: {  	v0 =	vld [tilespmem:$0x1420];
	_ =	sdelay $0x4  }
0xe6: {  	[tilespmem:s4+$0x1420] =	vst v0  }
0xe7: {  	v0 =	vld [tilespmem:$0x1430];
	_ =	sdelay $0x4  }
0xe8: {  	[tilespmem:s4+$0x1430] =	vst v0  }
0xe9: {  	v0 =	vld [tilespmem:$0x1440];
	_ =	sdelay $0x4  }
0xea: {  	[tilespmem:s4+$0x1440] =	vst v0  }
0xeb: {  	v0 =	vld [tilespmem:$0x1450];
	_ =	sdelay $0x4  }
0xec: {  	[tilespmem:s4+$0x1450] =	vst v0  }
0xed: {  	v0 =	vld [tilespmem:$0x1460];
	_ =	sdelay $0x4  }
0xee: {  	[tilespmem:s4+$0x1460] =	vst v0  }
0xef: {  	v0 =	vld [tilespmem:$0x1470];
	_ =	sdelay $0x1  }
.Ltmp0:
0xf0: {  	(pc) =	sbr.rel @p0 .LBB2_2-.Ltmp0, $3  }
0xf1: {  	_ =	sdelay $0x1  }
0xf2: {  	[tilespmem:s4+$0x1470] =	vst v0  }
0xf3: {  	s4 =	sshrl.u32 s2, $0x3;
	s2 =	sadd.s32 $0x1, s2;
	v0 =	vld [tilespmem:$0x0]  }
0xf4: {  	s2 =	smul.u32 $0x6000, s4  }
0xf5: {  	s1 =	sadd.s32 $0x80, s1  }
0xf6: {  	s1 =	sand.u32 $0x380, s1;
	s2 =	sshra.s32 s2, $0x2  }
0xf7: {  	s1 =	sor.u32 s1, s2  }
0xf8: {  	[tilespmem:s1+$0x0] =	vst v0  }
0xf9: {  	v0 =	vld [tilespmem:$0x10];
	_ =	sdelay $0x4  }
0xfa: {  	[tilespmem:s1+$0x10] =	vst v0  }
0xfb: {  	v0 =	vld [tilespmem:$0x20];
	_ =	sdelay $0x4  }
0xfc: {  	[tilespmem:s1+$0x20] =	vst v0  }
0xfd: {  	v0 =	vld [tilespmem:$0x30];
	_ =	sdelay $0x4  }
0xfe: {  	[tilespmem:s1+$0x30] =	vst v0  }
0xff: {  	v0 =	vld [tilespmem:$0x40];
	_ =	sdelay $0x4  }
0x100: {  	[tilespmem:s1+$0x40] =	vst v0  }
0x101: {  	v0 =	vld [tilespmem:$0x50];
	_ =	sdelay $0x4  }
0x102: {  	[tilespmem:s1+$0x50] =	vst v0  }
0x103: {  	v0 =	vld [tilespmem:$0x60];
	_ =	sdelay $0x4  }
0x104: {  	[tilespmem:s1+$0x60] =	vst v0  }
0x105: {  	v0 =	vld [tilespmem:$0x70];
	_ =	sdelay $0x4  }
0x106: {  	[tilespmem:s1+$0x70] =	vst v0  }
0x107: {  	v0 =	vld [tilespmem:$0x400];
	_ =	sdelay $0x4  }
0x108: {  	[tilespmem:s1+$0x400] =	vst v0  }
0x109: {  	v0 =	vld [tilespmem:$0x410];
	_ =	sdelay $0x4  }
0x10a: {  	[tilespmem:s1+$0x410] =	vst v0  }
0x10b: {  	v0 =	vld [tilespmem:$0x420];
	_ =	sdelay $0x4  }
0x10c: {  	[tilespmem:s1+$0x420] =	vst v0  }
0x10d: {  	v0 =	vld [tilespmem:$0x430];
	_ =	sdelay $0x4  }
0x10e: {  	[tilespmem:s1+$0x430] =	vst v0  }
0x10f: {  	v0 =	vld [tilespmem:$0x440];
	_ =	sdelay $0x4  }
0x110: {  	[tilespmem:s1+$0x440] =	vst v0  }
0x111: {  	v0 =	vld [tilespmem:$0x450];
	_ =	sdelay $0x4  }
0x112: {  	[tilespmem:s1+$0x450] =	vst v0  }
0x113: {  	v0 =	vld [tilespmem:$0x460];
	_ =	sdelay $0x4  }
0x114: {  	[tilespmem:s1+$0x460] =	vst v0  }
0x115: {  	v0 =	vld [tilespmem:$0x470];
	_ =	sdelay $0x4  }
0x116: {  	[tilespmem:s1+$0x470] =	vst v0  }
0x117: {  	v0 =	vld [tilespmem:$0x800];
	_ =	sdelay $0x4  }
0x118: {  	[tilespmem:s1+$0x800] =	vst v0  }
0x119: {  	v0 =	vld [tilespmem:$0x810];
	_ =	sdelay $0x4  }
0x11a: {  	[tilespmem:s1+$0x810] =	vst v0  }
0x11b: {  	v0 =	vld [tilespmem:$0x820];
	_ =	sdelay $0x4  }
0x11c: {  	[tilespmem:s1+$0x820] =	vst v0  }
0x11d: {  	v0 =	vld [tilespmem:$0x830];
	_ =	sdelay $0x4  }
0x11e: {  	[tilespmem:s1+$0x830] =	vst v0  }
0x11f: {  	v0 =	vld [tilespmem:$0x840];
	_ =	sdelay $0x4  }
0x120: {  	[tilespmem:s1+$0x840] =	vst v0  }
0x121: {  	v0 =	vld [tilespmem:$0x850];
	_ =	sdelay $0x4  }
0x122: {  	[tilespmem:s1+$0x850] =	vst v0  }
0x123: {  	v0 =	vld [tilespmem:$0x860];
	_ =	sdelay $0x4  }
0x124: {  	[tilespmem:s1+$0x860] =	vst v0  }
0x125: {  	v0 =	vld [tilespmem:$0x870];
	_ =	sdelay $0x4  }
0x126: {  	[tilespmem:s1+$0x870] =	vst v0  }
0x127: {  	v0 =	vld [tilespmem:$0xC00];
	_ =	sdelay $0x4  }
0x128: {  	[tilespmem:s1+$0xC00] =	vst v0  }
0x129: {  	v0 =	vld [tilespmem:$0xC10];
	_ =	sdelay $0x4  }
0x12a: {  	[tilespmem:s1+$0xC10] =	vst v0  }
0x12b: {  	v0 =	vld [tilespmem:$0xC20];
	_ =	sdelay $0x4  }
0x12c: {  	[tilespmem:s1+$0xC20] =	vst v0  }
0x12d: {  	v0 =	vld [tilespmem:$0xC30];
	_ =	sdelay $0x4  }
0x12e: {  	[tilespmem:s1+$0xC30] =	vst v0  }
0x12f: {  	v0 =	vld [tilespmem:$0xC40];
	_ =	sdelay $0x4  }
0x130: {  	[tilespmem:s1+$0xC40] =	vst v0  }
0x131: {  	v0 =	vld [tilespmem:$0xC50];
	_ =	sdelay $0x4  }
0x132: {  	[tilespmem:s1+$0xC50] =	vst v0  }
0x133: {  	v0 =	vld [tilespmem:$0xC60];
	_ =	sdelay $0x4  }
0x134: {  	[tilespmem:s1+$0xC60] =	vst v0  }
0x135: {  	v0 =	vld [tilespmem:$0xC70];
	_ =	sdelay $0x4  }
0x136: {  	[tilespmem:s1+$0xC70] =	vst v0  }
0x137: {  	v0 =	vld [tilespmem:$0x1000];
	_ =	sdelay $0x4  }
0x138: {  	[tilespmem:s1+$0x1000] =	vst v0  }
0x139: {  	v0 =	vld [tilespmem:$0x1010];
	_ =	sdelay $0x4  }
0x13a: {  	[tilespmem:s1+$0x1010] =	vst v0  }
0x13b: {  	v0 =	vld [tilespmem:$0x1020];
	_ =	sdelay $0x4  }
0x13c: {  	[tilespmem:s1+$0x1020] =	vst v0  }
0x13d: {  	v0 =	vld [tilespmem:$0x1030];
	_ =	sdelay $0x4  }
0x13e: {  	[tilespmem:s1+$0x1030] =	vst v0  }
0x13f: {  	v0 =	vld [tilespmem:$0x1040];
	_ =	sdelay $0x4  }
0x140: {  	[tilespmem:s1+$0x1040] =	vst v0  }
0x141: {  	v0 =	vld [tilespmem:$0x1050];
	_ =	sdelay $0x4  }
0x142: {  	[tilespmem:s1+$0x1050] =	vst v0  }
0x143: {  	v0 =	vld [tilespmem:$0x1060];
	_ =	sdelay $0x4  }
0x144: {  	[tilespmem:s1+$0x1060] =	vst v0  }
0x145: {  	v0 =	vld [tilespmem:$0x1070];
	_ =	sdelay $0x4  }
0x146: {  	[tilespmem:s1+$0x1070] =	vst v0  }
0x147: {  	v0 =	vld [tilespmem:$0x1400];
	_ =	sdelay $0x4  }
0x148: {  	[tilespmem:s1+$0x1400] =	vst v0  }
0x149: {  	v0 =	vld [tilespmem:$0x1410];
	_ =	sdelay $0x4  }
0x14a: {  	[tilespmem:s1+$0x1410] =	vst v0  }
0x14b: {  	v0 =	vld [tilespmem:$0x1420];
	_ =	sdelay $0x4  }
0x14c: {  	[tilespmem:s1+$0x1420] =	vst v0  }
0x14d: {  	v0 =	vld [tilespmem:$0x1430];
	_ =	sdelay $0x4  }
0x14e: {  	[tilespmem:s1+$0x1430] =	vst v0  }
0x14f: {  	v0 =	vld [tilespmem:$0x1440];
	_ =	sdelay $0x4  }
0x150: {  	[tilespmem:s1+$0x1440] =	vst v0  }
0x151: {  	v0 =	vld [tilespmem:$0x1450];
	_ =	sdelay $0x4  }
0x152: {  	[tilespmem:s1+$0x1450] =	vst v0  }
0x153: {  	v0 =	vld [tilespmem:$0x1460];
	_ =	sdelay $0x4  }
0x154: {  	[tilespmem:s1+$0x1460] =	vst v0  }
0x155: {  	v0 =	vld [tilespmem:$0x1470];
	_ =	sdelay $0x4  }
0x156: {  	[tilespmem:s1+$0x1470] =	vst v0  }
0x157: {  	[hbm4b:s6+s3] =	stream.linear.scatter [tilespmem:s3], [sflag:$0x2], $0x6000, $0x38;
	[tilespmem:$0x1E000] =	vst v63  }
0x158: {  	_ = 	snop  }
0x159: {  	[hbm4b:s7+s3] =	stream.linear.scatter [tilespmem:s3], [sflag:$0x2], $0x6000, $0x38;
	[tilespmem:$0x1E000] =	vst v63  }
0x15a: {  	_ = 	snop  }
0x15b: {  	[hbm4b:s8+s3] =	stream.linear.scatter [tilespmem:s3], [sflag:$0x2], $0x6000, $0x38;
	[tilespmem:$0x1E000] =	vst v63  }
0x15c: {  	_ = 	snop  }
0x15d: {  	[hbm4b:s9+s3] =	stream.linear.scatter [tilespmem:s3], [sflag:$0x2], $0x6000, $0x38;
	[tilespmem:$0x1E000] =	vst v63  }
0x15e: {  	_ = 	snop  }
0x15f: {  	[hbm4b:s10+s3] =	stream.linear.scatter [tilespmem:s3], [sflag:$0x2], $0x6000, $0x38;
	[tilespmem:$0x1E000] =	vst v63  }
0x160: {  	_ = 	snop  }
0x161: {  	[hbm4b:s11+s3] =	stream.linear.scatter [tilespmem:s3], [sflag:$0x2], $0x6000, $0x38;
	[tilespmem:$0x1E000] =	vst v63  }
0x162: {  	_ = 	snop  }
0x163: {  	[hbm4b:s12+s3] =	stream.linear.scatter [tilespmem:s3], [sflag:$0x2], $0x6000, $0x38;
	[tilespmem:$0x1E000] =	vst v63  }
0x164: {  	_ = 	snop  }
0x165: {  	[hbm4b:s13+s3] =	stream.linear.scatter [tilespmem:s3], [sflag:$0x2], $0x6000, $0x38;
	[tilespmem:$0x1E000] =	vst v63  }
0x166: {  	_ = 	snop  }
0x167: {  	[hbm4b:s14+s3] =	stream.linear.scatter [tilespmem:s3], [sflag:$0x2], $0x6000, $0x38;
	[tilespmem:$0x1E000] =	vst v63  }
0x168: {  	_ = 	snop  }
0x169: {  	[hbm4b:s15+s3] =	stream.linear.scatter [tilespmem:s3], [sflag:$0x2], $0x6000, $0x38;
	[tilespmem:$0x1E000] =	vst v63  }
0x16a: {  	_ = 	snop  }
0x16b: {  	[hbm4b:s16+s3] =	stream.linear.scatter [tilespmem:s3], [sflag:$0x2], $0x6000, $0x38;
	[tilespmem:$0x1E000] =	vst v63  }
0x16c: {  	_ = 	snop  }
0x16d: {  	[hbm4b:s17+s3] =	stream.linear.scatter [tilespmem:s3], [sflag:$0x2], $0x6000, $0x38;
	[tilespmem:$0x1E000] =	vst v63  }
0x16e: {  	_ =	swait.ge [sflag:s30], $0xC000  }
0x16f: {  	[sflag:s30] =	ssyncset.done $0x0  }
0x170: {  	[sflag:s30] =	ssyncadd.s32 $0xFFFF4000  }
0x171: {  	[hbm4b:s18+s3] =	stream.linear.scatter [tilespmem:s26], [sflag:$0x2], $0xC000, $0x38;
	[tilespmem:$0x1E000] =	vst v63  }
0x172: {  	_ =	swait.ge [sflag:s30], $0xC000  }
0x173: {  	[sflag:s30] =	ssyncset.done $0x0  }
0x174: {  	[sflag:s30] =	ssyncadd.s32 $0xFFFF4000  }
0x175: {  	[hbm4b:s19+s3] =	stream.linear.scatter [tilespmem:s28], [sflag:$0x2], $0xC000, $0x38;
	[tilespmem:$0x1E000] =	vst v63  }
0x176: {  	_ =	swait.ge [sflag:s31], $0x6000  }
0x177: {  	[sflag:s31] =	ssyncset.done $0x0  }
0x178: {  	[sflag:s31] =	ssyncadd.s32 $0xFFFFA000  }
0x179: {  	_ =	swait.ge [sflag:s31], $0x6000  }
0x17a: {  	[sflag:s31] =	ssyncset.done $0x0  }
0x17b: {  	[sflag:s31] =	ssyncadd.s32 $0xFFFFA000  }
0x17c: {  	_ =	swait.ge [sflag:s31], $0x6000  }
0x17d: {  	[sflag:s31] =	ssyncset.done $0x0  }
0x17e: {  	[sflag:s31] =	ssyncadd.s32 $0xFFFFA000  }
0x17f: {  	_ =	swait.ge [sflag:s31], $0x6000  }
0x180: {  	[sflag:s31] =	ssyncset.done $0x0  }
0x181: {  	[sflag:s31] =	ssyncadd.s32 $0xFFFFA000  }
0x182: {  	_ =	swait.ge [sflag:s31], $0x6000  }
0x183: {  	[sflag:s31] =	ssyncset.done $0x0  }
0x184: {  	[sflag:s31] =	ssyncadd.s32 $0xFFFFA000  }
0x185: {  	_ =	swait.ge [sflag:s31], $0x6000  }
0x186: {  	[sflag:s31] =	ssyncset.done $0x0  }
0x187: {  	[sflag:s31] =	ssyncadd.s32 $0xFFFFA000  }
0x188: {  	_ =	swait.ge [sflag:s31], $0x6000  }
0x189: {  	[sflag:s31] =	ssyncset.done $0x0  }
0x18a: {  	[sflag:s31] =	ssyncadd.s32 $0xFFFFA000  }
0x18b: {  	_ =	swait.ge [sflag:s31], $0x6000  }
0x18c: {  	[sflag:s31] =	ssyncset.done $0x0  }
0x18d: {  	[sflag:s31] =	ssyncadd.s32 $0xFFFFA000  }
0x18e: {  	_ =	swait.ge [sflag:s31], $0x6000  }
0x18f: {  	[sflag:s31] =	ssyncset.done $0x0  }
0x190: {  	[sflag:s31] =	ssyncadd.s32 $0xFFFFA000  }
0x191: {  	_ =	swait.ge [sflag:s31], $0x6000  }
0x192: {  	[sflag:s31] =	ssyncset.done $0x0  }
0x193: {  	[sflag:s31] =	ssyncadd.s32 $0xFFFFA000  }
0x194: {  	_ =	swait.ge [sflag:s31], $0x6000  }
0x195: {  	[sflag:s31] =	ssyncset.done $0x0  }
0x196: {  	[sflag:s31] =	ssyncadd.s32 $0xFFFFA000  }
0x197: {  	_ =	swait.ge [sflag:s31], $0x6000  }
0x198: {  	[sflag:s31] =	ssyncset.done $0x0  }
0x199: {  	s0 =	sadd.s32 $0x1, s0;
	[sflag:s31] =	ssyncadd.s32 $0xFFFFA000  }
0x19a: {  	p0 =	sne.s32 s0, s20;
	_ =	swait.ge [sflag:s31], $0xC000  }
.Ltmp1:
0x19b: {  	[sflag:s31] =	ssyncset.done $0x0;
	(pc) =	sbr.rel @p0 .LBB2_1-.Ltmp1, $4  }
0x19c: {  	[sflag:s31] =	ssyncadd.s32 $0xFFFF4000  }
0x19d: {  	_ =	swait.ge [sflag:s31], $0xC000  }
0x19e: {  	[sflag:s31] =	ssyncset.done $0x0  }
0x19f: {  	[sflag:s31] =	ssyncadd.s32 $0xFFFF4000  }
0x1a0: {  	_ =	sfence.sel $0x180000  }
0x1a1: {  	[bflag:$0x0] =	sbarrier.arrive $0xFFFF  }
0x1a2: {  	_ =	strace $0x90000047  }
0x1a3: {  	s0 =	stileid.u32;
	[bflag:$0x2] =	sbarrier.arrive $0xFFFF  }
0x1a4: {  	p0 =	sne.s32 s0, $0x0;
	s0 =	rddreg [dreg:$0x3]  }
0x1a5: {  	s0 =	sadd.s32 @!p0 $0x100000, s0  }
0x1a6: {  	[sflag:s0] =	ssyncadd.tile.s32 @!p0 $0x1;
	_ =	shalt  }
.Lfunc_end2:
_tile_overlayer_lowered:
.L_overlay_start_2:
0x1a7: {  	(tag) =	ssettag $0x2  }
0x1a8: {  	s0 =	rddreg [dreg:$0x0];
	s2 =	stileid.u32  }
0x1a9: {  	s1 =	rddreg [dreg:$0x1];
	p0 =	sne.s32 s2, $0x0  }
0x1aa: {  	s3 =	rddreg [dreg:$0x2];
	[bflag:$0x3] =	sbarrier.arrive $0xFFFF;
	s2 =	simm.s32 @!p0 $0x1C03  }
0x1ab: {  	[timem:s3], [sflag:s2] =	dma.local @!p0 [hbm:s0], s1  }
0x1ac: {  	s0 =	simm.s32 @!p0 $0x3  }
0x1ad: {  	_ =	swait.ge @!p0 [sflag:s0], s1  }
0x1ae: {  	s1 =	ssub.s32 @!p0 $0x0, s1;
	[sflag:s0] =	ssyncset.done @!p0 $0x0  }
0x1af: {  	[sflag:s0] =	ssyncadd.s32 @!p0 s1  }
0x1b0: {  	[bflag:$0x3] =	sbarrier.arrive $0xFFFF  }
0x1b1: {  	_ =	shalt  }

</sc_bundles>
